<compile_context>
chip_gen: v7x
topology: tpu7x:2x2x1
jax: 0.10.2.dev20260603
libtpu: 0.0.44.dev20260713+nightly
codegen_flags: <defaults>
</compile_context>

<pallas_src>
import jax
import jax.numpy as jnp
from jax import lax
from jax.experimental import pallas as pl
from jax.experimental.pallas import tpu as pltpu
from jax.experimental.pallas import tpu_sc as plsc

_N = 8192
_E = 16
_LANES = 16

_info = plsc.get_sparse_core_info()
_NC = _info.num_cores
_NS = _info.num_subcores
_NW = _NC * _NS
_B = _N // _NW
_GROUPS = _B // _LANES


def _one_hot_sc(y_hbm, out_hbm, y_v, out_v, sem):
    wid = lax.axis_index("s") * _NC + lax.axis_index("c")
    base = wid * _B
    cp = pltpu.async_copy(y_hbm.at[pl.ds(base, _B)], y_v, sem)

    zeros = jnp.zeros((_LANES,), jnp.float32)
    ones = jnp.ones((_LANES,), jnp.float32)
    iota = lax.iota(jnp.int32, _LANES)
    for j in range(_B):
        out_v[j, :] = zeros

    cp.wait()
    for g in range(_GROUPS):
        yv = y_v[pl.ds(g * _LANES, _LANES)]
        rows = g * _LANES + iota
        plsc.store_scatter(out_v, [rows, yv], ones)

    pltpu.sync_copy(out_v, out_hbm.at[pl.ds(base, _B)])


@jax.jit
def _one_hot(y):
    call = pl.kernel(
        _one_hot_sc,
        out_type=jax.ShapeDtypeStruct((_N, _E), jnp.float32),
        mesh=plsc.VectorSubcoreMesh(
            core_axis_name="c", subcore_axis_name="s", num_cores=_NC
        ),
        compiler_params=pltpu.CompilerParams(needs_layout_passes=False),
        scratch_types=[
            pltpu.VMEM((_B,), jnp.int32),
            pltpu.VMEM((_B, _E), jnp.float32),
            pltpu.SemaphoreType.DMA,
        ],
    )
    return call(y)


def kernel(functional_samples, x, expected_logbeta, y, mollify, mixer, temperature):
    assigments = _one_hot(y.astype(jnp.int32))
    zero = jnp.zeros((), dtype=jnp.float32)
    return (assigments, zero, assigments)

# --- scband reference (transcript-rebuilt; emitter-appended) ---
"""Pipeline reference for scband-oracle-assigments-70832600646107 (READ-ONLY COPY).

The authoritative reference and input builder live on the scoring server;
editing this copy changes nothing except your own understanding.
"""

import jax, jax.numpy as jnp
import numpy as np


def setup_inputs(seed: int = 0) -> dict:
    key = jax.random.key(seed)
    k1, k2, k3, k4 = jax.random.split(key, 4)
    N = 8192
    E = 16
    D = 1024
    functional_samples = jax.random.normal(k1, (N, E), dtype=jnp.float32)
    x = jax.random.normal(k2, (N, D), dtype=jnp.float32)
    expected_logbeta = jax.random.normal(k3, (N, E), dtype=jnp.float32)
    y = jax.random.randint(k4, (N,), 0, E, dtype=jnp.int64)
    return {
        "functional_samples": functional_samples,
        "x": x,
        "expected_logbeta": expected_logbeta,
        "y": y,
        "mollify": jnp.asarray(0.0, dtype=jnp.float32),
        "mixer": jnp.asarray(0.0, dtype=jnp.float32),
        "temperature": jnp.asarray(1.0, dtype=jnp.float32),
    }


def reference(functional_samples, x, expected_logbeta, y, mollify=0.0, mixer=0.0, temperature=1.0):
    # Faithful translation of OracleAssigments.posterior_inference:
    # one-hot oracle assignments from labels y, num_classes = functional_samples.shape[1]
    num_classes = functional_samples.shape[1]
    assigment_samples = jax.nn.one_hot(y, num_classes, dtype=jnp.float32)
    zero = jnp.zeros((), dtype=jnp.float32)
    return (assigment_samples, zero, assigment_samples)

if __name__ == "__main__":
    import jax
    _d = setup_inputs()
    print(jax.jit(kernel)(*tuple(_d.values())))

</pallas_src>

<mosaic_0001>
#map = affine_map<(d0, d1) -> (0)>
#map1 = affine_map<(d0, d1) -> (0, 0)>
module attributes {stable_mosaic.version = 14 : i64} {
  func.func @_one_hot_sc(%arg0: i32, %arg1: i32, %arg2: memref<8192xi32, #tpu.memory_space<hbm>>, %arg3: memref<8192x16xf32, #tpu.memory_space<hbm>>, %arg4: memref<256xi32, #tpu.memory_space<vmem>>, %arg5: memref<256x16xf32, #tpu.memory_space<vmem>>, %arg6: memref<!tpu.dma_semaphore, #tpu.memory_space<semaphore_mem>>) attributes {dimension_semantics = [#tpu.dimension_semantics<core_parallel>, #tpu.dimension_semantics<subcore_parallel>], iteration_bounds = array<i64: 2, 16>, scalar_prefetch = 0 : i64, scratch_operands = 3 : i64, tpu.core_type = #tpu.core_type<sc_vector_subcore>, window_params = [{transform_indices = #map}, {transform_indices = #map1}]} {
    %mul3A = arith.constant 2 : i32
    %mul3A_0 = arith.muli %arg1, %mul3A : i32
    %add3A = arith.addi %mul3A_0, %arg0 : i32
    %mul3A_1 = arith.constant 256 : i32
    %mul3A_2 = arith.muli %add3A, %mul3A_1 : i32
    %dma_start3A = tpu.memref_slice %arg2[%mul3A_2] : memref<8192xi32, #tpu.memory_space<hbm>> -> memref<256xi32, #tpu.memory_space<hbm>>
    %dma_start3A_3 = tpu.memref_slice %arg2[%mul3A_2] : memref<8192xi32, #tpu.memory_space<hbm>> -> memref<256xi32, #tpu.memory_space<hbm>>
    tpu.enqueue_dma source(%dma_start3A_3 : memref<256xi32, #tpu.memory_space<hbm>>) target(%arg4 : memref<256xi32, #tpu.memory_space<vmem>>) target_semaphore(%arg6 : memref<!tpu.dma_semaphore, #tpu.memory_space<semaphore_mem>>)
    %broadcast_in_dim3A = arith.constant 0.000000e+00 : f32
    %broadcast_in_dim3A_4 = vector.broadcast %broadcast_in_dim3A : f32 to vector<16xf32>
    %broadcast_in_dim3A_5 = arith.constant 1.000000e+00 : f32
    %broadcast_in_dim3A_6 = vector.broadcast %broadcast_in_dim3A_5 : f32 to vector<16xf32>
    %iota3A = tpu.iota {dimensions = array<i32: 0>} : vector<16xi32>
    %swap3A = arith.constant 0 : i32
    %swap3A_7 = arith.index_cast %swap3A : i32 to index
    %swap3A_8 = arith.constant 0 : index
    %swap3A_9 = tpu.vector_load %arg5[%swap3A_7, %swap3A_8] {strides = array<i32>} : memref<256x16xf32, #tpu.memory_space<vmem>>, vector<16xf32>,
    tpu.vector_store %arg5[%swap3A_7, %swap3A_8], %broadcast_in_dim3A_4 {strides = array<i32>} : memref<256x16xf32, #tpu.memory_space<vmem>>, vector<16xf32>,
    %swap3A_10 = arith.constant 1 : i32
    %swap3A_11 = arith.index_cast %swap3A_10 : i32 to index
    %swap3A_12 = arith.constant 0 : index
    %swap3A_13 = tpu.vector_load %arg5[%swap3A_11, %swap3A_12] {strides = array<i32>} : memref<256x16xf32, #tpu.memory_space<vmem>>, vector<16xf32>,
    tpu.vector_store %arg5[%swap3A_11, %swap3A_12], %broadcast_in_dim3A_4 {strides = array<i32>} : memref<256x16xf32, #tpu.memory_space<vmem>>, vector<16xf32>,
    %swap3A_14 = arith.constant 2 : i32
    %swap3A_15 = arith.index_cast %swap3A_14 : i32 to index
    %swap3A_16 = arith.constant 0 : index
    %swap3A_17 = tpu.vector_load %arg5[%swap3A_15, %swap3A_16] {strides = array<i32>} : memref<256x16xf32, #tpu.memory_space<vmem>>, vector<16xf32>,
    tpu.vector_store %arg5[%swap3A_15, %swap3A_16], %broadcast_in_dim3A_4 {strides = array<i32>} : memref<256x16xf32, #tpu.memory_space<vmem>>, vector<16xf32>,
    %swap3A_18 = arith.constant 3 : i32
    %swap3A_19 = arith.index_cast %swap3A_18 : i32 to index
    %swap3A_20 = arith.constant 0 : index
    %swap3A_21 = tpu.vector_load %arg5[%swap3A_19, %swap3A_20] {strides = array<i32>} : memref<256x16xf32, #tpu.memory_space<vmem>>, vector<16xf32>,
    tpu.vector_store %arg5[%swap3A_19, %swap3A_20], %broadcast_in_dim3A_4 {strides = array<i32>} : memref<256x16xf32, #tpu.memory_space<vmem>>, vector<16xf32>,
    %swap3A_22 = arith.constant 4 : i32
    %swap3A_23 = arith.index_cast %swap3A_22 : i32 to index
    %swap3A_24 = arith.constant 0 : index
    %swap3A_25 = tpu.vector_load %arg5[%swap3A_23, %swap3A_24] {strides = array<i32>} : memref<256x16xf32, #tpu.memory_space<vmem>>, vector<16xf32>,
    tpu.vector_store %arg5[%swap3A_23, %swap3A_24], %broadcast_in_dim3A_4 {strides = array<i32>} : memref<256x16xf32, #tpu.memory_space<vmem>>, vector<16xf32>,
    %swap3A_26 = arith.constant 5 : i32
    %swap3A_27 = arith.index_cast %swap3A_26 : i32 to index
    %swap3A_28 = arith.constant 0 : index
    %swap3A_29 = tpu.vector_load %arg5[%swap3A_27, %swap3A_28] {strides = array<i32>} : memref<256x16xf32, #tpu.memory_space<vmem>>, vector<16xf32>,
    tpu.vector_store %arg5[%swap3A_27, %swap3A_28], %broadcast_in_dim3A_4 {strides = array<i32>} : memref<256x16xf32, #tpu.memory_space<vmem>>, vector<16xf32>,
    %swap3A_30 = arith.constant 6 : i32
    %swap3A_31 = arith.index_cast %swap3A_30 : i32 to index
    %swap3A_32 = arith.constant 0 : index
    %swap3A_33 = tpu.vector_load %arg5[%swap3A_31, %swap3A_32] {strides = array<i32>} : memref<256x16xf32, #tpu.memory_space<vmem>>, vector<16xf32>,
    tpu.vector_store %arg5[%swap3A_31, %swap3A_32], %broadcast_in_dim3A_4 {strides = array<i32>} : memref<256x16xf32, #tpu.memory_space<vmem>>, vector<16xf32>,
    %swap3A_34 = arith.constant 7 : i32
    %swap3A_35 = arith.index_cast %swap3A_34 : i32 to index
    %swap3A_36 = arith.constant 0 : index
    %swap3A_37 = tpu.vector_load %arg5[%swap3A_35, %swap3A_36] {strides = array<i32>} : memref<256x16xf32, #tpu.memory_space<vmem>>, vector<16xf32>,
    tpu.vector_store %arg5[%swap3A_35, %swap3A_36], %broadcast_in_dim3A_4 {strides = array<i32>} : memref<256x16xf32, #tpu.memory_space<vmem>>, vector<16xf32>,
    %swap3A_38 = arith.constant 8 : i32
    %swap3A_39 = arith.index_cast %swap3A_38 : i32 to index
    %swap3A_40 = arith.constant 0 : index
    %swap3A_41 = tpu.vector_load %arg5[%swap3A_39, %swap3A_40] {strides = array<i32>} : memref<256x16xf32, #tpu.memory_space<vmem>>, vector<16xf32>,
    tpu.vector_store %arg5[%swap3A_39, %swap3A_40], %broadcast_in_dim3A_4 {strides = array<i32>} : memref<256x16xf32, #tpu.memory_space<vmem>>, vector<16xf32>,
    %swap3A_42 = arith.constant 9 : i32
    %swap3A_43 = arith.index_cast %swap3A_42 : i32 to index
    %swap3A_44 = arith.constant 0 : index
    %swap3A_45 = tpu.vector_load %arg5[%swap3A_43, %swap3A_44] {strides = array<i32>} : memref<256x16xf32, #tpu.memory_space<vmem>>, vector<16xf32>,
    tpu.vector_store %arg5[%swap3A_43, %swap3A_44], %broadcast_in_dim3A_4 {strides = array<i32>} : memref<256x16xf32, #tpu.memory_space<vmem>>, vector<16xf32>,
    %swap3A_46 = arith.constant 10 : i32
    %swap3A_47 = arith.index_cast %swap3A_46 : i32 to index
    %swap3A_48 = arith.constant 0 : index
    %swap3A_49 = tpu.vector_load %arg5[%swap3A_47, %swap3A_48] {strides = array<i32>} : memref<256x16xf32, #tpu.memory_space<vmem>>, vector<16xf32>,
    tpu.vector_store %arg5[%swap3A_47, %swap3A_48], %broadcast_in_dim3A_4 {strides = array<i32>} : memref<256x16xf32, #tpu.memory_space<vmem>>, vector<16xf32>,
    %swap3A_50 = arith.constant 11 : i32
    %swap3A_51 = arith.index_cast %swap3A_50 : i32 to index
    %swap3A_52 = arith.constant 0 : index
    %swap3A_53 = tpu.vector_load %arg5[%swap3A_51, %swap3A_52] {strides = array<i32>} : memref<256x16xf32, #tpu.memory_space<vmem>>, vector<16xf32>,
    tpu.vector_store %arg5[%swap3A_51, %swap3A_52], %broadcast_in_dim3A_4 {strides = array<i32>} : memref<256x16xf32, #tpu.memory_space<vmem>>, vector<16xf32>,
    %swap3A_54 = arith.constant 12 : i32
    %swap3A_55 = arith.index_cast %swap3A_54 : i32 to index
    %swap3A_56 = arith.constant 0 : index
    %swap3A_57 = tpu.vector_load %arg5[%swap3A_55, %swap3A_56] {strides = array<i32>} : memref<256x16xf32, #tpu.memory_space<vmem>>, vector<16xf32>,
    tpu.vector_store %arg5[%swap3A_55, %swap3A_56], %broadcast_in_dim3A_4 {strides = array<i32>} : memref<256x16xf32, #tpu.memory_space<vmem>>, vector<16xf32>,
    %swap3A_58 = arith.constant 13 : i32
    %swap3A_59 = arith.index_cast %swap3A_58 : i32 to index
    %swap3A_60 = arith.constant 0 : index
    %swap3A_61 = tpu.vector_load %arg5[%swap3A_59, %swap3A_60] {strides = array<i32>} : memref<256x16xf32, #tpu.memory_space<vmem>>, vector<16xf32>,
    tpu.vector_store %arg5[%swap3A_59, %swap3A_60], %broadcast_in_dim3A_4 {strides = array<i32>} : memref<256x16xf32, #tpu.memory_space<vmem>>, vector<16xf32>,
    %swap3A_62 = arith.constant 14 : i32
    %swap3A_63 = arith.index_cast %swap3A_62 : i32 to index
    %swap3A_64 = arith.constant 0 : index
    %swap3A_65 = tpu.vector_load %arg5[%swap3A_63, %swap3A_64] {strides = array<i32>} : memref<256x16xf32, #tpu.memory_space<vmem>>, vector<16xf32>,
    tpu.vector_store %arg5[%swap3A_63, %swap3A_64], %broadcast_in_dim3A_4 {strides = array<i32>} : memref<256x16xf32, #tpu.memory_space<vmem>>, vector<16xf32>,
    %swap3A_66 = arith.constant 15 : i32
    %swap3A_67 = arith.index_cast %swap3A_66 : i32 to index
    %swap3A_68 = arith.constant 0 : index
    %swap3A_69 = tpu.vector_load %arg5[%swap3A_67, %swap3A_68] {strides = array<i32>} : memref<256x16xf32, #tpu.memory_space<vmem>>, vector<16xf32>,
    tpu.vector_store %arg5[%swap3A_67, %swap3A_68], %broadcast_in_dim3A_4 {strides = array<i32>} : memref<256x16xf32, #tpu.memory_space<vmem>>, vector<16xf32>,
    %swap3A_70 = arith.constant 16 : i32
    %swap3A_71 = arith.index_cast %swap3A_70 : i32 to index
    %swap3A_72 = arith.constant 0 : index
    %swap3A_73 = tpu.vector_load %arg5[%swap3A_71, %swap3A_72] {strides = array<i32>} : memref<256x16xf32, #tpu.memory_space<vmem>>, vector<16xf32>,
    tpu.vector_store %arg5[%swap3A_71, %swap3A_72], %broadcast_in_dim3A_4 {strides = array<i32>} : memref<256x16xf32, #tpu.memory_space<vmem>>, vector<16xf32>,
    %swap3A_74 = arith.constant 17 : i32
    %swap3A_75 = arith.index_cast %swap3A_74 : i32 to index
    %swap3A_76 = arith.constant 0 : index
    %swap3A_77 = tpu.vector_load %arg5[%swap3A_75, %swap3A_76] {strides = array<i32>} : memref<256x16xf32, #tpu.memory_space<vmem>>, vector<16xf32>,
    tpu.vector_store %arg5[%swap3A_75, %swap3A_76], %broadcast_in_dim3A_4 {strides = array<i32>} : memref<256x16xf32, #tpu.memory_space<vmem>>, vector<16xf32>,
    %swap3A_78 = arith.constant 18 : i32
    %swap3A_79 = arith.index_cast %swap3A_78 : i32 to index
    %swap3A_80 = arith.constant 0 : index
    %swap3A_81 = tpu.vector_load %arg5[%swap3A_79, %swap3A_80] {strides = array<i32>} : memref<256x16xf32, #tpu.memory_space<vmem>>, vector<16xf32>,
    tpu.vector_store %arg5[%swap3A_79, %swap3A_80], %broadcast_in_dim3A_4 {strides = array<i32>} : memref<256x16xf32, #tpu.memory_space<vmem>>, vector<16xf32>,
    %swap3A_82 = arith.constant 19 : i32
    %swap3A_83 = arith.index_cast %swap3A_82 : i32 to index
    %swap3A_84 = arith.constant 0 : index
    %swap3A_85 = tpu.vector_load %arg5[%swap3A_83, %swap3A_84] {strides = array<i32>} : memref<256x16xf32, #tpu.memory_space<vmem>>, vector<16xf32>,
    tpu.vector_store %arg5[%swap3A_83, %swap3A_84], %broadcast_in_dim3A_4 {strides = array<i32>} : memref<256x16xf32, #tpu.memory_space<vmem>>, vector<16xf32>,
    %swap3A_86 = arith.constant 20 : i32
    %swap3A_87 = arith.index_cast %swap3A_86 : i32 to index
    %swap3A_88 = arith.constant 0 : index
    %swap3A_89 = tpu.vector_load %arg5[%swap3A_87, %swap3A_88] {strides = array<i32>} : memref<256x16xf32, #tpu.memory_space<vmem>>, vector<16xf32>,
    tpu.vector_store %arg5[%swap3A_87, %swap3A_88], %broadcast_in_dim3A_4 {strides = array<i32>} : memref<256x16xf32, #tpu.memory_space<vmem>>, vector<16xf32>,
    %swap3A_90 = arith.constant 21 : i32
    %swap3A_91 = arith.index_cast %swap3A_90 : i32 to index
    %swap3A_92 = arith.constant 0 : index
    %swap3A_93 = tpu.vector_load %arg5[%swap3A_91, %swap3A_92] {strides = array<i32>} : memref<256x16xf32, #tpu.memory_space<vmem>>, vector<16xf32>,
    tpu.vector_store %arg5[%swap3A_91, %swap3A_92], %broadcast_in_dim3A_4 {strides = array<i32>} : memref<256x16xf32, #tpu.memory_space<vmem>>, vector<16xf32>,
    %swap3A_94 = arith.constant 22 : i32
    %swap3A_95 = arith.index_cast %swap3A_94 : i32 to index
    %swap3A_96 = arith.constant 0 : index
    %swap3A_97 = tpu.vector_load %arg5[%swap3A_95, %swap3A_96] {strides = array<i32>} : memref<256x16xf32, #tpu.memory_space<vmem>>, vector<16xf32>,
    tpu.vector_store %arg5[%swap3A_95, %swap3A_96], %broadcast_in_dim3A_4 {strides = array<i32>} : memref<256x16xf32, #tpu.memory_space<vmem>>, vector<16xf32>,
    %swap3A_98 = arith.constant 23 : i32
    %swap3A_99 = arith.index_cast %swap3A_98 : i32 to index
    %swap3A_100 = arith.constant 0 : index
    %swap3A_101 = tpu.vector_load %arg5[%swap3A_99, %swap3A_100] {strides = array<i32>} : memref<256x16xf32, #tpu.memory_space<vmem>>, vector<16xf32>,
    tpu.vector_store %arg5[%swap3A_99, %swap3A_100], %broadcast_in_dim3A_4 {strides = array<i32>} : memref<256x16xf32, #tpu.memory_space<vmem>>, vector<16xf32>,
    %swap3A_102 = arith.constant 24 : i32
    %swap3A_103 = arith.index_cast %swap3A_102 : i32 to index
    %swap3A_104 = arith.constant 0 : index
    %swap3A_105 = tpu.vector_load %arg5[%swap3A_103, %swap3A_104] {strides = array<i32>} : memref<256x16xf32, #tpu.memory_space<vmem>>, vector<16xf32>,
    tpu.vector_store %arg5[%swap3A_103, %swap3A_104], %broadcast_in_dim3A_4 {strides = array<i32>} : memref<256x16xf32, #tpu.memory_space<vmem>>, vector<16xf32>,
    %swap3A_106 = arith.constant 25 : i32
    %swap3A_107 = arith.index_cast %swap3A_106 : i32 to index
    %swap3A_108 = arith.constant 0 : index
    %swap3A_109 = tpu.vector_load %arg5[%swap3A_107, %swap3A_108] {strides = array<i32>} : memref<256x16xf32, #tpu.memory_space<vmem>>, vector<16xf32>,
    tpu.vector_store %arg5[%swap3A_107, %swap3A_108], %broadcast_in_dim3A_4 {strides = array<i32>} : memref<256x16xf32, #tpu.memory_space<vmem>>, vector<16xf32>,
    %swap3A_110 = arith.constant 26 : i32
    %swap3A_111 = arith.index_cast %swap3A_110 : i32 to index
    %swap3A_112 = arith.constant 0 : index
    %swap3A_113 = tpu.vector_load %arg5[%swap3A_111, %swap3A_112] {strides = array<i32>} : memref<256x16xf32, #tpu.memory_space<vmem>>, vector<16xf32>,
    tpu.vector_store %arg5[%swap3A_111, %swap3A_112], %broadcast_in_dim3A_4 {strides = array<i32>} : memref<256x16xf32, #tpu.memory_space<vmem>>, vector<16xf32>,
    %swap3A_114 = arith.constant 27 : i32
    %swap3A_115 = arith.index_cast %swap3A_114 : i32 to index
    %swap3A_116 = arith.constant 0 : index
    %swap3A_117 = tpu.vector_load %arg5[%swap3A_115, %swap3A_116] {strides = array<i32>} : memref<256x16xf32, #tpu.memory_space<vmem>>, vector<16xf32>,
    tpu.vector_store %arg5[%swap3A_115, %swap3A_116], %broadcast_in_dim3A_4 {strides = array<i32>} : memref<256x16xf32, #tpu.memory_space<vmem>>, vector<16xf32>,
    %swap3A_118 = arith.constant 28 : i32
    %swap3A_119 = arith.index_cast %swap3A_118 : i32 to index
    %swap3A_120 = arith.constant 0 : index
    %swap3A_121 = tpu.vector_load %arg5[%swap3A_119, %swap3A_120] {strides = array<i32>} : memref<256x16xf32, #tpu.memory_space<vmem>>, vector<16xf32>,
    tpu.vector_store %arg5[%swap3A_119, %swap3A_120], %broadcast_in_dim3A_4 {strides = array<i32>} : memref<256x16xf32, #tpu.memory_space<vmem>>, vector<16xf32>,
    %swap3A_122 = arith.constant 29 : i32
    %swap3A_123 = arith.index_cast %swap3A_122 : i32 to index
    %swap3A_124 = arith.constant 0 : index
    %swap3A_125 = tpu.vector_load %arg5[%swap3A_123, %swap3A_124] {strides = array<i32>} : memref<256x16xf32, #tpu.memory_space<vmem>>, vector<16xf32>,
    tpu.vector_store %arg5[%swap3A_123, %swap3A_124], %broadcast_in_dim3A_4 {strides = array<i32>} : memref<256x16xf32, #tpu.memory_space<vmem>>, vector<16xf32>,
    %swap3A_126 = arith.constant 30 : i32
    %swap3A_127 = arith.index_cast %swap3A_126 : i32 to index
    %swap3A_128 = arith.constant 0 : index
    %swap3A_129 = tpu.vector_load %arg5[%swap3A_127, %swap3A_128] {strides = array<i32>} : memref<256x16xf32, #tpu.memory_space<vmem>>, vector<16xf32>,
    tpu.vector_store %arg5[%swap3A_127, %swap3A_128], %broadcast_in_dim3A_4 {strides = array<i32>} : memref<256x16xf32, #tpu.memory_space<vmem>>, vector<16xf32>,
    %swap3A_130 = arith.constant 31 : i32
    %swap3A_131 = arith.index_cast %swap3A_130 : i32 to index
    %swap3A_132 = arith.constant 0 : index
    %swap3A_133 = tpu.vector_load %arg5[%swap3A_131, %swap3A_132] {strides = array<i32>} : memref<256x16xf32, #tpu.memory_space<vmem>>, vector<16xf32>,
    tpu.vector_store %arg5[%swap3A_131, %swap3A_132], %broadcast_in_dim3A_4 {strides = array<i32>} : memref<256x16xf32, #tpu.memory_space<vmem>>, vector<16xf32>,
    %swap3A_134 = arith.constant 32 : i32
    %swap3A_135 = arith.index_cast %swap3A_134 : i32 to index
    %swap3A_136 = arith.constant 0 : index
    %swap3A_137 = tpu.vector_load %arg5[%swap3A_135, %swap3A_136] {strides = array<i32>} : memref<256x16xf32, #tpu.memory_space<vmem>>, vector<16xf32>,
    tpu.vector_store %arg5[%swap3A_135, %swap3A_136], %broadcast_in_dim3A_4 {strides = array<i32>} : memref<256x16xf32, #tpu.memory_space<vmem>>, vector<16xf32>,
    %swap3A_138 = arith.constant 33 : i32
    %swap3A_139 = arith.index_cast %swap3A_138 : i32 to index
    %swap3A_140 = arith.constant 0 : index
    %swap3A_141 = tpu.vector_load %arg5[%swap3A_139, %swap3A_140] {strides = array<i32>} : memref<256x16xf32, #tpu.memory_space<vmem>>, vector<16xf32>,
    tpu.vector_store %arg5[%swap3A_139, %swap3A_140], %broadcast_in_dim3A_4 {strides = array<i32>} : memref<256x16xf32, #tpu.memory_space<vmem>>, vector<16xf32>,
    %swap3A_142 = arith.constant 34 : i32
    %swap3A_143 = arith.index_cast %swap3A_142 : i32 to index
    %swap3A_144 = arith.constant 0 : index
    %swap3A_145 = tpu.vector_load %arg5[%swap3A_143, %swap3A_144] {strides = array<i32>} : memref<256x16xf32, #tpu.memory_space<vmem>>, vector<16xf32>,
    tpu.vector_store %arg5[%swap3A_143, %swap3A_144], %broadcast_in_dim3A_4 {strides = array<i32>} : memref<256x16xf32, #tpu.memory_space<vmem>>, vector<16xf32>,
    %swap3A_146 = arith.constant 35 : i32
    %swap3A_147 = arith.index_cast %swap3A_146 : i32 to index
    %swap3A_148 = arith.constant 0 : index
    %swap3A_149 = tpu.vector_load %arg5[%swap3A_147, %swap3A_148] {strides = array<i32>} : memref<256x16xf32, #tpu.memory_space<vmem>>, vector<16xf32>,
    tpu.vector_store %arg5[%swap3A_147, %swap3A_148], %broadcast_in_dim3A_4 {strides = array<i32>} : memref<256x16xf32, #tpu.memory_space<vmem>>, vector<16xf32>,
    %swap3A_150 = arith.constant 36 : i32
    %swap3A_151 = arith.index_cast %swap3A_150 : i32 to index
    %swap3A_152 = arith.constant 0 : index
    %swap3A_153 = tpu.vector_load %arg5[%swap3A_151, %swap3A_152] {strides = array<i32>} : memref<256x16xf32, #tpu.memory_space<vmem>>, vector<16xf32>,
    tpu.vector_store %arg5[%swap3A_151, %swap3A_152], %broadcast_in_dim3A_4 {strides = array<i32>} : memref<256x16xf32, #tpu.memory_space<vmem>>, vector<16xf32>,
    %swap3A_154 = arith.constant 37 : i32
    %swap3A_155 = arith.index_cast %swap3A_154 : i32 to index
    %swap3A_156 = arith.constant 0 : index
    %swap3A_157 = tpu.vector_load %arg5[%swap3A_155, %swap3A_156] {strides = array<i32>} : memref<256x16xf32, #tpu.memory_space<vmem>>, vector<16xf32>,
    tpu.vector_store %arg5[%swap3A_155, %swap3A_156], %broadcast_in_dim3A_4 {strides = array<i32>} : memref<256x16xf32, #tpu.memory_space<vmem>>, vector<16xf32>,
    %swap3A_158 = arith.constant 38 : i32
    %swap3A_159 = arith.index_cast %swap3A_158 : i32 to index
    %swap3A_160 = arith.constant 0 : index
    %swap3A_161 = tpu.vector_load %arg5[%swap3A_159, %swap3A_160] {strides = array<i32>} : memref<256x16xf32, #tpu.memory_space<vmem>>, vector<16xf32>,
    tpu.vector_store %arg5[%swap3A_159, %swap3A_160], %broadcast_in_dim3A_4 {strides = array<i32>} : memref<256x16xf32, #tpu.memory_space<vmem>>, vector<16xf32>,
    %swap3A_162 = arith.constant 39 : i32
    %swap3A_163 = arith.index_cast %swap3A_162 : i32 to index
    %swap3A_164 = arith.constant 0 : index
    %swap3A_165 = tpu.vector_load %arg5[%swap3A_163, %swap3A_164] {strides = array<i32>} : memref<256x16xf32, #tpu.memory_space<vmem>>, vector<16xf32>,
    tpu.vector_store %arg5[%swap3A_163, %swap3A_164], %broadcast_in_dim3A_4 {strides = array<i32>} : memref<256x16xf32, #tpu.memory_space<vmem>>, vector<16xf32>,
    %swap3A_166 = arith.constant 40 : i32
    %swap3A_167 = arith.index_cast %swap3A_166 : i32 to index
    %swap3A_168 = arith.constant 0 : index
    %swap3A_169 = tpu.vector_load %arg5[%swap3A_167, %swap3A_168] {strides = array<i32>} : memref<256x16xf32, #tpu.memory_space<vmem>>, vector<16xf32>,
    tpu.vector_store %arg5[%swap3A_167, %swap3A_168], %broadcast_in_dim3A_4 {strides = array<i32>} : memref<256x16xf32, #tpu.memory_space<vmem>>, vector<16xf32>,
    %swap3A_170 = arith.constant 41 : i32
    %swap3A_171 = arith.index_cast %swap3A_170 : i32 to index
    %swap3A_172 = arith.constant 0 : index
    %swap3A_173 = tpu.vector_load %arg5[%swap3A_171, %swap3A_172] {strides = array<i32>} : memref<256x16xf32, #tpu.memory_space<vmem>>, vector<16xf32>,
    tpu.vector_store %arg5[%swap3A_171, %swap3A_172], %broadcast_in_dim3A_4 {strides = array<i32>} : memref<256x16xf32, #tpu.memory_space<vmem>>, vector<16xf32>,
    %swap3A_174 = arith.constant 42 : i32
    %swap3A_175 = arith.index_cast %swap3A_174 : i32 to index
    %swap3A_176 = arith.constant 0 : index
    %swap3A_177 = tpu.vector_load %arg5[%swap3A_175, %swap3A_176] {strides = array<i32>} : memref<256x16xf32, #tpu.memory_space<vmem>>, vector<16xf32>,
    tpu.vector_store %arg5[%swap3A_175, %swap3A_176], %broadcast_in_dim3A_4 {strides = array<i32>} : memref<256x16xf32, #tpu.memory_space<vmem>>, vector<16xf32>,
    %swap3A_178 = arith.constant 43 : i32
    %swap3A_179 = arith.index_cast %swap3A_178 : i32 to index
    %swap3A_180 = arith.constant 0 : index
    %swap3A_181 = tpu.vector_load %arg5[%swap3A_179, %swap3A_180] {strides = array<i32>} : memref<256x16xf32, #tpu.memory_space<vmem>>, vector<16xf32>,
    tpu.vector_store %arg5[%swap3A_179, %swap3A_180], %broadcast_in_dim3A_4 {strides = array<i32>} : memref<256x16xf32, #tpu.memory_space<vmem>>, vector<16xf32>,
    %swap3A_182 = arith.constant 44 : i32
    %swap3A_183 = arith.index_cast %swap3A_182 : i32 to index
    %swap3A_184 = arith.constant 0 : index
    %swap3A_185 = tpu.vector_load %arg5[%swap3A_183, %swap3A_184] {strides = array<i32>} : memref<256x16xf32, #tpu.memory_space<vmem>>, vector<16xf32>,
    tpu.vector_store %arg5[%swap3A_183, %swap3A_184], %broadcast_in_dim3A_4 {strides = array<i32>} : memref<256x16xf32, #tpu.memory_space<vmem>>, vector<16xf32>,
    %swap3A_186 = arith.constant 45 : i32
    %swap3A_187 = arith.index_cast %swap3A_186 : i32 to index
    %swap3A_188 = arith.constant 0 : index
    %swap3A_189 = tpu.vector_load %arg5[%swap3A_187, %swap3A_188] {strides = array<i32>} : memref<256x16xf32, #tpu.memory_space<vmem>>, vector<16xf32>,
    tpu.vector_store %arg5[%swap3A_187, %swap3A_188], %broadcast_in_dim3A_4 {strides = array<i32>} : memref<256x16xf32, #tpu.memory_space<vmem>>, vector<16xf32>,
    %swap3A_190 = arith.constant 46 : i32
    %swap3A_191 = arith.index_cast %swap3A_190 : i32 to index
    %swap3A_192 = arith.constant 0 : index
    %swap3A_193 = tpu.vector_load %arg5[%swap3A_191, %swap3A_192] {strides = array<i32>} : memref<256x16xf32, #tpu.memory_space<vmem>>, vector<16xf32>,
    tpu.vector_store %arg5[%swap3A_191, %swap3A_192], %broadcast_in_dim3A_4 {strides = array<i32>} : memref<256x16xf32, #tpu.memory_space<vmem>>, vector<16xf32>,
    %swap3A_194 = arith.constant 47 : i32
    %swap3A_195 = arith.index_cast %swap3A_194 : i32 to index
    %swap3A_196 = arith.constant 0 : index
    %swap3A_197 = tpu.vector_load %arg5[%swap3A_195, %swap3A_196] {strides = array<i32>} : memref<256x16xf32, #tpu.memory_space<vmem>>, vector<16xf32>,
    tpu.vector_store %arg5[%swap3A_195, %swap3A_196], %broadcast_in_dim3A_4 {strides = array<i32>} : memref<256x16xf32, #tpu.memory_space<vmem>>, vector<16xf32>,
    %swap3A_198 = arith.constant 48 : i32
    %swap3A_199 = arith.index_cast %swap3A_198 : i32 to index
    %swap3A_200 = arith.constant 0 : index
    %swap3A_201 = tpu.vector_load %arg5[%swap3A_199, %swap3A_200] {strides = array<i32>} : memref<256x16xf32, #tpu.memory_space<vmem>>, vector<16xf32>,
    tpu.vector_store %arg5[%swap3A_199, %swap3A_200], %broadcast_in_dim3A_4 {strides = array<i32>} : memref<256x16xf32, #tpu.memory_space<vmem>>, vector<16xf32>,
    %swap3A_202 = arith.constant 49 : i32
    %swap3A_203 = arith.index_cast %swap3A_202 : i32 to index
    %swap3A_204 = arith.constant 0 : index
    %swap3A_205 = tpu.vector_load %arg5[%swap3A_203, %swap3A_204] {strides = array<i32>} : memref<256x16xf32, #tpu.memory_space<vmem>>, vector<16xf32>,
    tpu.vector_store %arg5[%swap3A_203, %swap3A_204], %broadcast_in_dim3A_4 {strides = array<i32>} : memref<256x16xf32, #tpu.memory_space<vmem>>, vector<16xf32>,
    %swap3A_206 = arith.constant 50 : i32
    %swap3A_207 = arith.index_cast %swap3A_206 : i32 to index
    %swap3A_208 = arith.constant 0 : index
    %swap3A_209 = tpu.vector_load %arg5[%swap3A_207, %swap3A_208] {strides = array<i32>} : memref<256x16xf32, #tpu.memory_space<vmem>>, vector<16xf32>,
    tpu.vector_store %arg5[%swap3A_207, %swap3A_208], %broadcast_in_dim3A_4 {strides = array<i32>} : memref<256x16xf32, #tpu.memory_space<vmem>>, vector<16xf32>,
    %swap3A_210 = arith.constant 51 : i32
    %swap3A_211 = arith.index_cast %swap3A_210 : i32 to index
    %swap3A_212 = arith.constant 0 : index
    %swap3A_213 = tpu.vector_load %arg5[%swap3A_211, %swap3A_212] {strides = array<i32>} : memref<256x16xf32, #tpu.memory_space<vmem>>, vector<16xf32>,
    tpu.vector_store %arg5[%swap3A_211, %swap3A_212], %broadcast_in_dim3A_4 {strides = array<i32>} : memref<256x16xf32, #tpu.memory_space<vmem>>, vector<16xf32>,
    %swap3A_214 = arith.constant 52 : i32
    %swap3A_215 = arith.index_cast %swap3A_214 : i32 to index
    %swap3A_216 = arith.constant 0 : index
    %swap3A_217 = tpu.vector_load %arg5[%swap3A_215, %swap3A_216] {strides = array<i32>} : memref<256x16xf32, #tpu.memory_space<vmem>>, vector<16xf32>,
    tpu.vector_store %arg5[%swap3A_215, %swap3A_216], %broadcast_in_dim3A_4 {strides = array<i32>} : memref<256x16xf32, #tpu.memory_space<vmem>>, vector<16xf32>,
    %swap3A_218 = arith.constant 53 : i32
    %swap3A_219 = arith.index_cast %swap3A_218 : i32 to index
    %swap3A_220 = arith.constant 0 : index
    %swap3A_221 = tpu.vector_load %arg5[%swap3A_219, %swap3A_220] {strides = array<i32>} : memref<256x16xf32, #tpu.memory_space<vmem>>, vector<16xf32>,
    tpu.vector_store %arg5[%swap3A_219, %swap3A_220], %broadcast_in_dim3A_4 {strides = array<i32>} : memref<256x16xf32, #tpu.memory_space<vmem>>, vector<16xf32>,
    %swap3A_222 = arith.constant 54 : i32
    %swap3A_223 = arith.index_cast %swap3A_222 : i32 to index
    %swap3A_224 = arith.constant 0 : index
    %swap3A_225 = tpu.vector_load %arg5[%swap3A_223, %swap3A_224] {strides = array<i32>} : memref<256x16xf32, #tpu.memory_space<vmem>>, vector<16xf32>,
    tpu.vector_store %arg5[%swap3A_223, %swap3A_224], %broadcast_in_dim3A_4 {strides = array<i32>} : memref<256x16xf32, #tpu.memory_space<vmem>>, vector<16xf32>,
    %swap3A_226 = arith.constant 55 : i32
    %swap3A_227 = arith.index_cast %swap3A_226 : i32 to index
    %swap3A_228 = arith.constant 0 : index
    %swap3A_229 = tpu.vector_load %arg5[%swap3A_227, %swap3A_228] {strides = array<i32>} : memref<256x16xf32, #tpu.memory_space<vmem>>, vector<16xf32>,
    tpu.vector_store %arg5[%swap3A_227, %swap3A_228], %broadcast_in_dim3A_4 {strides = array<i32>} : memref<256x16xf32, #tpu.memory_space<vmem>>, vector<16xf32>,
    %swap3A_230 = arith.constant 56 : i32
    %swap3A_231 = arith.index_cast %swap3A_230 : i32 to index
    %swap3A_232 = arith.constant 0 : index
    %swap3A_233 = tpu.vector_load %arg5[%swap3A_231, %swap3A_232] {strides = array<i32>} : memref<256x16xf32, #tpu.memory_space<vmem>>, vector<16xf32>,
    tpu.vector_store %arg5[%swap3A_231, %swap3A_232], %broadcast_in_dim3A_4 {strides = array<i32>} : memref<256x16xf32, #tpu.memory_space<vmem>>, vector<16xf32>,
    %swap3A_234 = arith.constant 57 : i32
    %swap3A_235 = arith.index_cast %swap3A_234 : i32 to index
    %swap3A_236 = arith.constant 0 : index
    %swap3A_237 = tpu.vector_load %arg5[%swap3A_235, %swap3A_236] {strides = array<i32>} : memref<256x16xf32, #tpu.memory_space<vmem>>, vector<16xf32>,
    tpu.vector_store %arg5[%swap3A_235, %swap3A_236], %broadcast_in_dim3A_4 {strides = array<i32>} : memref<256x16xf32, #tpu.memory_space<vmem>>, vector<16xf32>,
    %swap3A_238 = arith.constant 58 : i32
    %swap3A_239 = arith.index_cast %swap3A_238 : i32 to index
    %swap3A_240 = arith.constant 0 : index
    %swap3A_241 = tpu.vector_load %arg5[%swap3A_239, %swap3A_240] {strides = array<i32>} : memref<256x16xf32, #tpu.memory_space<vmem>>, vector<16xf32>,
    tpu.vector_store %arg5[%swap3A_239, %swap3A_240], %broadcast_in_dim3A_4 {strides = array<i32>} : memref<256x16xf32, #tpu.memory_space<vmem>>, vector<16xf32>,
    %swap3A_242 = arith.constant 59 : i32
    %swap3A_243 = arith.index_cast %swap3A_242 : i32 to index
    %swap3A_244 = arith.constant 0 : index
    %swap3A_245 = tpu.vector_load %arg5[%swap3A_243, %swap3A_244] {strides = array<i32>} : memref<256x16xf32, #tpu.memory_space<vmem>>, vector<16xf32>,
    tpu.vector_store %arg5[%swap3A_243, %swap3A_244], %broadcast_in_dim3A_4 {strides = array<i32>} : memref<256x16xf32, #tpu.memory_space<vmem>>, vector<16xf32>,
    %swap3A_246 = arith.constant 60 : i32
    %swap3A_247 = arith.index_cast %swap3A_246 : i32 to index
    %swap3A_248 = arith.constant 0 : index
    %swap3A_249 = tpu.vector_load %arg5[%swap3A_247, %swap3A_248] {strides = array<i32>} : memref<256x16xf32, #tpu.memory_space<vmem>>, vector<16xf32>,
    tpu.vector_store %arg5[%swap3A_247, %swap3A_248], %broadcast_in_dim3A_4 {strides = array<i32>} : memref<256x16xf32, #tpu.memory_space<vmem>>, vector<16xf32>,
    %swap3A_250 = arith.constant 61 : i32
    %swap3A_251 = arith.index_cast %swap3A_250 : i32 to index
    %swap3A_252 = arith.constant 0 : index
    %swap3A_253 = tpu.vector_load %arg5[%swap3A_251, %swap3A_252] {strides = array<i32>} : memref<256x16xf32, #tpu.memory_space<vmem>>, vector<16xf32>,
    tpu.vector_store %arg5[%swap3A_251, %swap3A_252], %broadcast_in_dim3A_4 {strides = array<i32>} : memref<256x16xf32, #tpu.memory_space<vmem>>, vector<16xf32>,
    %swap3A_254 = arith.constant 62 : i32
    %swap3A_255 = arith.index_cast %swap3A_254 : i32 to index
    %swap3A_256 = arith.constant 0 : index
    %swap3A_257 = tpu.vector_load %arg5[%swap3A_255, %swap3A_256] {strides = array<i32>} : memref<256x16xf32, #tpu.memory_space<vmem>>, vector<16xf32>,
    tpu.vector_store %arg5[%swap3A_255, %swap3A_256], %broadcast_in_dim3A_4 {strides = array<i32>} : memref<256x16xf32, #tpu.memory_space<vmem>>, vector<16xf32>,
    %swap3A_258 = arith.constant 63 : i32
    %swap3A_259 = arith.index_cast %swap3A_258 : i32 to index
    %swap3A_260 = arith.constant 0 : index
    %swap3A_261 = tpu.vector_load %arg5[%swap3A_259, %swap3A_260] {strides = array<i32>} : memref<256x16xf32, #tpu.memory_space<vmem>>, vector<16xf32>,
    tpu.vector_store %arg5[%swap3A_259, %swap3A_260], %broadcast_in_dim3A_4 {strides = array<i32>} : memref<256x16xf32, #tpu.memory_space<vmem>>, vector<16xf32>,
    %swap3A_262 = arith.constant 64 : i32
    %swap3A_263 = arith.index_cast %swap3A_262 : i32 to index
    %swap3A_264 = arith.constant 0 : index
    %swap3A_265 = tpu.vector_load %arg5[%swap3A_263, %swap3A_264] {strides = array<i32>} : memref<256x16xf32, #tpu.memory_space<vmem>>, vector<16xf32>,
    tpu.vector_store %arg5[%swap3A_263, %swap3A_264], %broadcast_in_dim3A_4 {strides = array<i32>} : memref<256x16xf32, #tpu.memory_space<vmem>>, vector<16xf32>,
    %swap3A_266 = arith.constant 65 : i32
    %swap3A_267 = arith.index_cast %swap3A_266 : i32 to index
    %swap3A_268 = arith.constant 0 : index
    %swap3A_269 = tpu.vector_load %arg5[%swap3A_267, %swap3A_268] {strides = array<i32>} : memref<256x16xf32, #tpu.memory_space<vmem>>, vector<16xf32>,
    tpu.vector_store %arg5[%swap3A_267, %swap3A_268], %broadcast_in_dim3A_4 {strides = array<i32>} : memref<256x16xf32, #tpu.memory_space<vmem>>, vector<16xf32>,
    %swap3A_270 = arith.constant 66 : i32
    %swap3A_271 = arith.index_cast %swap3A_270 : i32 to index
    %swap3A_272 = arith.constant 0 : index
    %swap3A_273 = tpu.vector_load %arg5[%swap3A_271, %swap3A_272] {strides = array<i32>} : memref<256x16xf32, #tpu.memory_space<vmem>>, vector<16xf32>,
    tpu.vector_store %arg5[%swap3A_271, %swap3A_272], %broadcast_in_dim3A_4 {strides = array<i32>} : memref<256x16xf32, #tpu.memory_space<vmem>>, vector<16xf32>,
    %swap3A_274 = arith.constant 67 : i32
    %swap3A_275 = arith.index_cast %swap3A_274 : i32 to index
    %swap3A_276 = arith.constant 0 : index
    %swap3A_277 = tpu.vector_load %arg5[%swap3A_275, %swap3A_276] {strides = array<i32>} : memref<256x16xf32, #tpu.memory_space<vmem>>, vector<16xf32>,
    tpu.vector_store %arg5[%swap3A_275, %swap3A_276], %broadcast_in_dim3A_4 {strides = array<i32>} : memref<256x16xf32, #tpu.memory_space<vmem>>, vector<16xf32>,
    %swap3A_278 = arith.constant 68 : i32
    %swap3A_279 = arith.index_cast %swap3A_278 : i32 to index
    %swap3A_280 = arith.constant 0 : index
    %swap3A_281 = tpu.vector_load %arg5[%swap3A_279, %swap3A_280] {strides = array<i32>} : memref<256x16xf32, #tpu.memory_space<vmem>>, vector<16xf32>,
    tpu.vector_store %arg5[%swap3A_279, %swap3A_280], %broadcast_in_dim3A_4 {strides = array<i32>} : memref<256x16xf32, #tpu.memory_space<vmem>>, vector<16xf32>,
    %swap3A_282 = arith.constant 69 : i32
    %swap3A_283 = arith.index_cast %swap3A_282 : i32 to index
    %swap3A_284 = arith.constant 0 : index
    %swap3A_285 = tpu.vector_load %arg5[%swap3A_283, %swap3A_284] {strides = array<i32>} : memref<256x16xf32, #tpu.memory_space<vmem>>, vector<16xf32>,
    tpu.vector_store %arg5[%swap3A_283, %swap3A_284], %broadcast_in_dim3A_4 {strides = array<i32>} : memref<256x16xf32, #tpu.memory_space<vmem>>, vector<16xf32>,
    %swap3A_286 = arith.constant 70 : i32
    %swap3A_287 = arith.index_cast %swap3A_286 : i32 to index
    %swap3A_288 = arith.constant 0 : index
    %swap3A_289 = tpu.vector_load %arg5[%swap3A_287, %swap3A_288] {strides = array<i32>} : memref<256x16xf32, #tpu.memory_space<vmem>>, vector<16xf32>,
    tpu.vector_store %arg5[%swap3A_287, %swap3A_288], %broadcast_in_dim3A_4 {strides = array<i32>} : memref<256x16xf32, #tpu.memory_space<vmem>>, vector<16xf32>,
    %swap3A_290 = arith.constant 71 : i32
    %swap3A_291 = arith.index_cast %swap3A_290 : i32 to index
    %swap3A_292 = arith.constant 0 : index
    %swap3A_293 = tpu.vector_load %arg5[%swap3A_291, %swap3A_292] {strides = array<i32>} : memref<256x16xf32, #tpu.memory_space<vmem>>, vector<16xf32>,
    tpu.vector_store %arg5[%swap3A_291, %swap3A_292], %broadcast_in_dim3A_4 {strides = array<i32>} : memref<256x16xf32, #tpu.memory_space<vmem>>, vector<16xf32>,
    %swap3A_294 = arith.constant 72 : i32
    %swap3A_295 = arith.index_cast %swap3A_294 : i32 to index
    %swap3A_296 = arith.constant 0 : index
    %swap3A_297 = tpu.vector_load %arg5[%swap3A_295, %swap3A_296] {strides = array<i32>} : memref<256x16xf32, #tpu.memory_space<vmem>>, vector<16xf32>,
    tpu.vector_store %arg5[%swap3A_295, %swap3A_296], %broadcast_in_dim3A_4 {strides = array<i32>} : memref<256x16xf32, #tpu.memory_space<vmem>>, vector<16xf32>,
    %swap3A_298 = arith.constant 73 : i32
    %swap3A_299 = arith.index_cast %swap3A_298 : i32 to index
    %swap3A_300 = arith.constant 0 : index
    %swap3A_301 = tpu.vector_load %arg5[%swap3A_299, %swap3A_300] {strides = array<i32>} : memref<256x16xf32, #tpu.memory_space<vmem>>, vector<16xf32>,
    tpu.vector_store %arg5[%swap3A_299, %swap3A_300], %broadcast_in_dim3A_4 {strides = array<i32>} : memref<256x16xf32, #tpu.memory_space<vmem>>, vector<16xf32>,
    %swap3A_302 = arith.constant 74 : i32
    %swap3A_303 = arith.index_cast %swap3A_302 : i32 to index
    %swap3A_304 = arith.constant 0 : index
    %swap3A_305 = tpu.vector_load %arg5[%swap3A_303, %swap3A_304] {strides = array<i32>} : memref<256x16xf32, #tpu.memory_space<vmem>>, vector<16xf32>,
    tpu.vector_store %arg5[%swap3A_303, %swap3A_304], %broadcast_in_dim3A_4 {strides = array<i32>} : memref<256x16xf32, #tpu.memory_space<vmem>>, vector<16xf32>,
    %swap3A_306 = arith.constant 75 : i32
    %swap3A_307 = arith.index_cast %swap3A_306 : i32 to index
    %swap3A_308 = arith.constant 0 : index
    %swap3A_309 = tpu.vector_load %arg5[%swap3A_307, %swap3A_308] {strides = array<i32>} : memref<256x16xf32, #tpu.memory_space<vmem>>, vector<16xf32>,
    tpu.vector_store %arg5[%swap3A_307, %swap3A_308], %broadcast_in_dim3A_4 {strides = array<i32>} : memref<256x16xf32, #tpu.memory_space<vmem>>, vector<16xf32>,
    %swap3A_310 = arith.constant 76 : i32
    %swap3A_311 = arith.index_cast %swap3A_310 : i32 to index
    %swap3A_312 = arith.constant 0 : index
    %swap3A_313 = tpu.vector_load %arg5[%swap3A_311, %swap3A_312] {strides = array<i32>} : memref<256x16xf32, #tpu.memory_space<vmem>>, vector<16xf32>,
    tpu.vector_store %arg5[%swap3A_311, %swap3A_312], %broadcast_in_dim3A_4 {strides = array<i32>} : memref<256x16xf32, #tpu.memory_space<vmem>>, vector<16xf32>,
    %swap3A_314 = arith.constant 77 : i32
    %swap3A_315 = arith.index_cast %swap3A_314 : i32 to index
    %swap3A_316 = arith.constant 0 : index
    %swap3A_317 = tpu.vector_load %arg5[%swap3A_315, %swap3A_316] {strides = array<i32>} : memref<256x16xf32, #tpu.memory_space<vmem>>, vector<16xf32>,
    tpu.vector_store %arg5[%swap3A_315, %swap3A_316], %broadcast_in_dim3A_4 {strides = array<i32>} : memref<256x16xf32, #tpu.memory_space<vmem>>, vector<16xf32>,
    %swap3A_318 = arith.constant 78 : i32
    %swap3A_319 = arith.index_cast %swap3A_318 : i32 to index
    %swap3A_320 = arith.constant 0 : index
    %swap3A_321 = tpu.vector_load %arg5[%swap3A_319, %swap3A_320] {strides = array<i32>} : memref<256x16xf32, #tpu.memory_space<vmem>>, vector<16xf32>,
    tpu.vector_store %arg5[%swap3A_319, %swap3A_320], %broadcast_in_dim3A_4 {strides = array<i32>} : memref<256x16xf32, #tpu.memory_space<vmem>>, vector<16xf32>,
    %swap3A_322 = arith.constant 79 : i32
    %swap3A_323 = arith.index_cast %swap3A_322 : i32 to index
    %swap3A_324 = arith.constant 0 : index
    %swap3A_325 = tpu.vector_load %arg5[%swap3A_323, %swap3A_324] {strides = array<i32>} : memref<256x16xf32, #tpu.memory_space<vmem>>, vector<16xf32>,
    tpu.vector_store %arg5[%swap3A_323, %swap3A_324], %broadcast_in_dim3A_4 {strides = array<i32>} : memref<256x16xf32, #tpu.memory_space<vmem>>, vector<16xf32>,
    %swap3A_326 = arith.constant 80 : i32
    %swap3A_327 = arith.index_cast %swap3A_326 : i32 to index
    %swap3A_328 = arith.constant 0 : index
    %swap3A_329 = tpu.vector_load %arg5[%swap3A_327, %swap3A_328] {strides = array<i32>} : memref<256x16xf32, #tpu.memory_space<vmem>>, vector<16xf32>,
    tpu.vector_store %arg5[%swap3A_327, %swap3A_328], %broadcast_in_dim3A_4 {strides = array<i32>} : memref<256x16xf32, #tpu.memory_space<vmem>>, vector<16xf32>,
    %swap3A_330 = arith.constant 81 : i32
    %swap3A_331 = arith.index_cast %swap3A_330 : i32 to index
    %swap3A_332 = arith.constant 0 : index
    %swap3A_333 = tpu.vector_load %arg5[%swap3A_331, %swap3A_332] {strides = array<i32>} : memref<256x16xf32, #tpu.memory_space<vmem>>, vector<16xf32>,
    tpu.vector_store %arg5[%swap3A_331, %swap3A_332], %broadcast_in_dim3A_4 {strides = array<i32>} : memref<256x16xf32, #tpu.memory_space<vmem>>, vector<16xf32>,
    %swap3A_334 = arith.constant 82 : i32
    %swap3A_335 = arith.index_cast %swap3A_334 : i32 to index
    %swap3A_336 = arith.constant 0 : index
    %swap3A_337 = tpu.vector_load %arg5[%swap3A_335, %swap3A_336] {strides = array<i32>} : memref<256x16xf32, #tpu.memory_space<vmem>>, vector<16xf32>,
    tpu.vector_store %arg5[%swap3A_335, %swap3A_336], %broadcast_in_dim3A_4 {strides = array<i32>} : memref<256x16xf32, #tpu.memory_space<vmem>>, vector<16xf32>,
    %swap3A_338 = arith.constant 83 : i32
    %swap3A_339 = arith.index_cast %swap3A_338 : i32 to index
    %swap3A_340 = arith.constant 0 : index
    %swap3A_341 = tpu.vector_load %arg5[%swap3A_339, %swap3A_340] {strides = array<i32>} : memref<256x16xf32, #tpu.memory_space<vmem>>, vector<16xf32>,
    tpu.vector_store %arg5[%swap3A_339, %swap3A_340], %broadcast_in_dim3A_4 {strides = array<i32>} : memref<256x16xf32, #tpu.memory_space<vmem>>, vector<16xf32>,
    %swap3A_342 = arith.constant 84 : i32
    %swap3A_343 = arith.index_cast %swap3A_342 : i32 to index
    %swap3A_344 = arith.constant 0 : index
    %swap3A_345 = tpu.vector_load %arg5[%swap3A_343, %swap3A_344] {strides = array<i32>} : memref<256x16xf32, #tpu.memory_space<vmem>>, vector<16xf32>,
    tpu.vector_store %arg5[%swap3A_343, %swap3A_344], %broadcast_in_dim3A_4 {strides = array<i32>} : memref<256x16xf32, #tpu.memory_space<vmem>>, vector<16xf32>,
    %swap3A_346 = arith.constant 85 : i32
    %swap3A_347 = arith.index_cast %swap3A_346 : i32 to index
    %swap3A_348 = arith.constant 0 : index
    %swap3A_349 = tpu.vector_load %arg5[%swap3A_347, %swap3A_348] {strides = array<i32>} : memref<256x16xf32, #tpu.memory_space<vmem>>, vector<16xf32>,
    tpu.vector_store %arg5[%swap3A_347, %swap3A_348], %broadcast_in_dim3A_4 {strides = array<i32>} : memref<256x16xf32, #tpu.memory_space<vmem>>, vector<16xf32>,
    %swap3A_350 = arith.constant 86 : i32
    %swap3A_351 = arith.index_cast %swap3A_350 : i32 to index
    %swap3A_352 = arith.constant 0 : index
    %swap3A_353 = tpu.vector_load %arg5[%swap3A_351, %swap3A_352] {strides = array<i32>} : memref<256x16xf32, #tpu.memory_space<vmem>>, vector<16xf32>,
    tpu.vector_store %arg5[%swap3A_351, %swap3A_352], %broadcast_in_dim3A_4 {strides = array<i32>} : memref<256x16xf32, #tpu.memory_space<vmem>>, vector<16xf32>,
    %swap3A_354 = arith.constant 87 : i32
    %swap3A_355 = arith.index_cast %swap3A_354 : i32 to index
    %swap3A_356 = arith.constant 0 : index
    %swap3A_357 = tpu.vector_load %arg5[%swap3A_355, %swap3A_356] {strides = array<i32>} : memref<256x16xf32, #tpu.memory_space<vmem>>, vector<16xf32>,
    tpu.vector_store %arg5[%swap3A_355, %swap3A_356], %broadcast_in_dim3A_4 {strides = array<i32>} : memref<256x16xf32, #tpu.memory_space<vmem>>, vector<16xf32>,
    %swap3A_358 = arith.constant 88 : i32
    %swap3A_359 = arith.index_cast %swap3A_358 : i32 to index
    %swap3A_360 = arith.constant 0 : index
    %swap3A_361 = tpu.vector_load %arg5[%swap3A_359, %swap3A_360] {strides = array<i32>} : memref<256x16xf32, #tpu.memory_space<vmem>>, vector<16xf32>,
    tpu.vector_store %arg5[%swap3A_359, %swap3A_360], %broadcast_in_dim3A_4 {strides = array<i32>} : memref<256x16xf32, #tpu.memory_space<vmem>>, vector<16xf32>,
    %swap3A_362 = arith.constant 89 : i32
    %swap3A_363 = arith.index_cast %swap3A_362 : i32 to index
    %swap3A_364 = arith.constant 0 : index
    %swap3A_365 = tpu.vector_load %arg5[%swap3A_363, %swap3A_364] {strides = array<i32>} : memref<256x16xf32, #tpu.memory_space<vmem>>, vector<16xf32>,
    tpu.vector_store %arg5[%swap3A_363, %swap3A_364], %broadcast_in_dim3A_4 {strides = array<i32>} : memref<256x16xf32, #tpu.memory_space<vmem>>, vector<16xf32>,
    %swap3A_366 = arith.constant 90 : i32
    %swap3A_367 = arith.index_cast %swap3A_366 : i32 to index
    %swap3A_368 = arith.constant 0 : index
    %swap3A_369 = tpu.vector_load %arg5[%swap3A_367, %swap3A_368] {strides = array<i32>} : memref<256x16xf32, #tpu.memory_space<vmem>>, vector<16xf32>,
    tpu.vector_store %arg5[%swap3A_367, %swap3A_368], %broadcast_in_dim3A_4 {strides = array<i32>} : memref<256x16xf32, #tpu.memory_space<vmem>>, vector<16xf32>,
    %swap3A_370 = arith.constant 91 : i32
    %swap3A_371 = arith.index_cast %swap3A_370 : i32 to index
    %swap3A_372 = arith.constant 0 : index
    %swap3A_373 = tpu.vector_load %arg5[%swap3A_371, %swap3A_372] {strides = array<i32>} : memref<256x16xf32, #tpu.memory_space<vmem>>, vector<16xf32>,
    tpu.vector_store %arg5[%swap3A_371, %swap3A_372], %broadcast_in_dim3A_4 {strides = array<i32>} : memref<256x16xf32, #tpu.memory_space<vmem>>, vector<16xf32>,
    %swap3A_374 = arith.constant 92 : i32
    %swap3A_375 = arith.index_cast %swap3A_374 : i32 to index
    %swap3A_376 = arith.constant 0 : index
    %swap3A_377 = tpu.vector_load %arg5[%swap3A_375, %swap3A_376] {strides = array<i32>} : memref<256x16xf32, #tpu.memory_space<vmem>>, vector<16xf32>,
    tpu.vector_store %arg5[%swap3A_375, %swap3A_376], %broadcast_in_dim3A_4 {strides = array<i32>} : memref<256x16xf32, #tpu.memory_space<vmem>>, vector<16xf32>,
    %swap3A_378 = arith.constant 93 : i32
    %swap3A_379 = arith.index_cast %swap3A_378 : i32 to index
    %swap3A_380 = arith.constant 0 : index
    %swap3A_381 = tpu.vector_load %arg5[%swap3A_379, %swap3A_380] {strides = array<i32>} : memref<256x16xf32, #tpu.memory_space<vmem>>, vector<16xf32>,
    tpu.vector_store %arg5[%swap3A_379, %swap3A_380], %broadcast_in_dim3A_4 {strides = array<i32>} : memref<256x16xf32, #tpu.memory_space<vmem>>, vector<16xf32>,
    %swap3A_382 = arith.constant 94 : i32
    %swap3A_383 = arith.index_cast %swap3A_382 : i32 to index
    %swap3A_384 = arith.constant 0 : index
    %swap3A_385 = tpu.vector_load %arg5[%swap3A_383, %swap3A_384] {strides = array<i32>} : memref<256x16xf32, #tpu.memory_space<vmem>>, vector<16xf32>,
    tpu.vector_store %arg5[%swap3A_383, %swap3A_384], %broadcast_in_dim3A_4 {strides = array<i32>} : memref<256x16xf32, #tpu.memory_space<vmem>>, vector<16xf32>,
    %swap3A_386 = arith.constant 95 : i32
    %swap3A_387 = arith.index_cast %swap3A_386 : i32 to index
    %swap3A_388 = arith.constant 0 : index
    %swap3A_389 = tpu.vector_load %arg5[%swap3A_387, %swap3A_388] {strides = array<i32>} : memref<256x16xf32, #tpu.memory_space<vmem>>, vector<16xf32>,
    tpu.vector_store %arg5[%swap3A_387, %swap3A_388], %broadcast_in_dim3A_4 {strides = array<i32>} : memref<256x16xf32, #tpu.memory_space<vmem>>, vector<16xf32>,
    %swap3A_390 = arith.constant 96 : i32
    %swap3A_391 = arith.index_cast %swap3A_390 : i32 to index
    %swap3A_392 = arith.constant 0 : index
    %swap3A_393 = tpu.vector_load %arg5[%swap3A_391, %swap3A_392] {strides = array<i32>} : memref<256x16xf32, #tpu.memory_space<vmem>>, vector<16xf32>,
    tpu.vector_store %arg5[%swap3A_391, %swap3A_392], %broadcast_in_dim3A_4 {strides = array<i32>} : memref<256x16xf32, #tpu.memory_space<vmem>>, vector<16xf32>,
    %swap3A_394 = arith.constant 97 : i32
    %swap3A_395 = arith.index_cast %swap3A_394 : i32 to index
    %swap3A_396 = arith.constant 0 : index
    %swap3A_397 = tpu.vector_load %arg5[%swap3A_395, %swap3A_396] {strides = array<i32>} : memref<256x16xf32, #tpu.memory_space<vmem>>, vector<16xf32>,
    tpu.vector_store %arg5[%swap3A_395, %swap3A_396], %broadcast_in_dim3A_4 {strides = array<i32>} : memref<256x16xf32, #tpu.memory_space<vmem>>, vector<16xf32>,
    %swap3A_398 = arith.constant 98 : i32
    %swap3A_399 = arith.index_cast %swap3A_398 : i32 to index
    %swap3A_400 = arith.constant 0 : index
    %swap3A_401 = tpu.vector_load %arg5[%swap3A_399, %swap3A_400] {strides = array<i32>} : memref<256x16xf32, #tpu.memory_space<vmem>>, vector<16xf32>,
    tpu.vector_store %arg5[%swap3A_399, %swap3A_400], %broadcast_in_dim3A_4 {strides = array<i32>} : memref<256x16xf32, #tpu.memory_space<vmem>>, vector<16xf32>,
    %swap3A_402 = arith.constant 99 : i32
    %swap3A_403 = arith.index_cast %swap3A_402 : i32 to index
    %swap3A_404 = arith.constant 0 : index
    %swap3A_405 = tpu.vector_load %arg5[%swap3A_403, %swap3A_404] {strides = array<i32>} : memref<256x16xf32, #tpu.memory_space<vmem>>, vector<16xf32>,
    tpu.vector_store %arg5[%swap3A_403, %swap3A_404], %broadcast_in_dim3A_4 {strides = array<i32>} : memref<256x16xf32, #tpu.memory_space<vmem>>, vector<16xf32>,
    %swap3A_406 = arith.constant 100 : i32
    %swap3A_407 = arith.index_cast %swap3A_406 : i32 to index
    %swap3A_408 = arith.constant 0 : index
    %swap3A_409 = tpu.vector_load %arg5[%swap3A_407, %swap3A_408] {strides = array<i32>} : memref<256x16xf32, #tpu.memory_space<vmem>>, vector<16xf32>,
    tpu.vector_store %arg5[%swap3A_407, %swap3A_408], %broadcast_in_dim3A_4 {strides = array<i32>} : memref<256x16xf32, #tpu.memory_space<vmem>>, vector<16xf32>,
    %swap3A_410 = arith.constant 101 : i32
    %swap3A_411 = arith.index_cast %swap3A_410 : i32 to index
    %swap3A_412 = arith.constant 0 : index
    %swap3A_413 = tpu.vector_load %arg5[%swap3A_411, %swap3A_412] {strides = array<i32>} : memref<256x16xf32, #tpu.memory_space<vmem>>, vector<16xf32>,
    tpu.vector_store %arg5[%swap3A_411, %swap3A_412], %broadcast_in_dim3A_4 {strides = array<i32>} : memref<256x16xf32, #tpu.memory_space<vmem>>, vector<16xf32>,
    %swap3A_414 = arith.constant 102 : i32
    %swap3A_415 = arith.index_cast %swap3A_414 : i32 to index
    %swap3A_416 = arith.constant 0 : index
    %swap3A_417 = tpu.vector_load %arg5[%swap3A_415, %swap3A_416] {strides = array<i32>} : memref<256x16xf32, #tpu.memory_space<vmem>>, vector<16xf32>,
    tpu.vector_store %arg5[%swap3A_415, %swap3A_416], %broadcast_in_dim3A_4 {strides = array<i32>} : memref<256x16xf32, #tpu.memory_space<vmem>>, vector<16xf32>,
    %swap3A_418 = arith.constant 103 : i32
    %swap3A_419 = arith.index_cast %swap3A_418 : i32 to index
    %swap3A_420 = arith.constant 0 : index
    %swap3A_421 = tpu.vector_load %arg5[%swap3A_419, %swap3A_420] {strides = array<i32>} : memref<256x16xf32, #tpu.memory_space<vmem>>, vector<16xf32>,
    tpu.vector_store %arg5[%swap3A_419, %swap3A_420], %broadcast_in_dim3A_4 {strides = array<i32>} : memref<256x16xf32, #tpu.memory_space<vmem>>, vector<16xf32>,
    %swap3A_422 = arith.constant 104 : i32
    %swap3A_423 = arith.index_cast %swap3A_422 : i32 to index
    %swap3A_424 = arith.constant 0 : index
    %swap3A_425 = tpu.vector_load %arg5[%swap3A_423, %swap3A_424] {strides = array<i32>} : memref<256x16xf32, #tpu.memory_space<vmem>>, vector<16xf32>,
    tpu.vector_store %arg5[%swap3A_423, %swap3A_424], %broadcast_in_dim3A_4 {strides = array<i32>} : memref<256x16xf32, #tpu.memory_space<vmem>>, vector<16xf32>,
    %swap3A_426 = arith.constant 105 : i32
    %swap3A_427 = arith.index_cast %swap3A_426 : i32 to index
    %swap3A_428 = arith.constant 0 : index
    %swap3A_429 = tpu.vector_load %arg5[%swap3A_427, %swap3A_428] {strides = array<i32>} : memref<256x16xf32, #tpu.memory_space<vmem>>, vector<16xf32>,
    tpu.vector_store %arg5[%swap3A_427, %swap3A_428], %broadcast_in_dim3A_4 {strides = array<i32>} : memref<256x16xf32, #tpu.memory_space<vmem>>, vector<16xf32>,
    %swap3A_430 = arith.constant 106 : i32
    %swap3A_431 = arith.index_cast %swap3A_430 : i32 to index
    %swap3A_432 = arith.constant 0 : index
    %swap3A_433 = tpu.vector_load %arg5[%swap3A_431, %swap3A_432] {strides = array<i32>} : memref<256x16xf32, #tpu.memory_space<vmem>>, vector<16xf32>,
    tpu.vector_store %arg5[%swap3A_431, %swap3A_432], %broadcast_in_dim3A_4 {strides = array<i32>} : memref<256x16xf32, #tpu.memory_space<vmem>>, vector<16xf32>,
    %swap3A_434 = arith.constant 107 : i32
    %swap3A_435 = arith.index_cast %swap3A_434 : i32 to index
    %swap3A_436 = arith.constant 0 : index
    %swap3A_437 = tpu.vector_load %arg5[%swap3A_435, %swap3A_436] {strides = array<i32>} : memref<256x16xf32, #tpu.memory_space<vmem>>, vector<16xf32>,
    tpu.vector_store %arg5[%swap3A_435, %swap3A_436], %broadcast_in_dim3A_4 {strides = array<i32>} : memref<256x16xf32, #tpu.memory_space<vmem>>, vector<16xf32>,
    %swap3A_438 = arith.constant 108 : i32
    %swap3A_439 = arith.index_cast %swap3A_438 : i32 to index
    %swap3A_440 = arith.constant 0 : index
    %swap3A_441 = tpu.vector_load %arg5[%swap3A_439, %swap3A_440] {strides = array<i32>} : memref<256x16xf32, #tpu.memory_space<vmem>>, vector<16xf32>,
    tpu.vector_store %arg5[%swap3A_439, %swap3A_440], %broadcast_in_dim3A_4 {strides = array<i32>} : memref<256x16xf32, #tpu.memory_space<vmem>>, vector<16xf32>,
    %swap3A_442 = arith.constant 109 : i32
    %swap3A_443 = arith.index_cast %swap3A_442 : i32 to index
    %swap3A_444 = arith.constant 0 : index
    %swap3A_445 = tpu.vector_load %arg5[%swap3A_443, %swap3A_444] {strides = array<i32>} : memref<256x16xf32, #tpu.memory_space<vmem>>, vector<16xf32>,
    tpu.vector_store %arg5[%swap3A_443, %swap3A_444], %broadcast_in_dim3A_4 {strides = array<i32>} : memref<256x16xf32, #tpu.memory_space<vmem>>, vector<16xf32>,
    %swap3A_446 = arith.constant 110 : i32
    %swap3A_447 = arith.index_cast %swap3A_446 : i32 to index
    %swap3A_448 = arith.constant 0 : index
    %swap3A_449 = tpu.vector_load %arg5[%swap3A_447, %swap3A_448] {strides = array<i32>} : memref<256x16xf32, #tpu.memory_space<vmem>>, vector<16xf32>,
    tpu.vector_store %arg5[%swap3A_447, %swap3A_448], %broadcast_in_dim3A_4 {strides = array<i32>} : memref<256x16xf32, #tpu.memory_space<vmem>>, vector<16xf32>,
    %swap3A_450 = arith.constant 111 : i32
    %swap3A_451 = arith.index_cast %swap3A_450 : i32 to index
    %swap3A_452 = arith.constant 0 : index
    %swap3A_453 = tpu.vector_load %arg5[%swap3A_451, %swap3A_452] {strides = array<i32>} : memref<256x16xf32, #tpu.memory_space<vmem>>, vector<16xf32>,
    tpu.vector_store %arg5[%swap3A_451, %swap3A_452], %broadcast_in_dim3A_4 {strides = array<i32>} : memref<256x16xf32, #tpu.memory_space<vmem>>, vector<16xf32>,
    %swap3A_454 = arith.constant 112 : i32
    %swap3A_455 = arith.index_cast %swap3A_454 : i32 to index
    %swap3A_456 = arith.constant 0 : index
    %swap3A_457 = tpu.vector_load %arg5[%swap3A_455, %swap3A_456] {strides = array<i32>} : memref<256x16xf32, #tpu.memory_space<vmem>>, vector<16xf32>,
    tpu.vector_store %arg5[%swap3A_455, %swap3A_456], %broadcast_in_dim3A_4 {strides = array<i32>} : memref<256x16xf32, #tpu.memory_space<vmem>>, vector<16xf32>,
    %swap3A_458 = arith.constant 113 : i32
    %swap3A_459 = arith.index_cast %swap3A_458 : i32 to index
    %swap3A_460 = arith.constant 0 : index
    %swap3A_461 = tpu.vector_load %arg5[%swap3A_459, %swap3A_460] {strides = array<i32>} : memref<256x16xf32, #tpu.memory_space<vmem>>, vector<16xf32>,
    tpu.vector_store %arg5[%swap3A_459, %swap3A_460], %broadcast_in_dim3A_4 {strides = array<i32>} : memref<256x16xf32, #tpu.memory_space<vmem>>, vector<16xf32>,
    %swap3A_462 = arith.constant 114 : i32
    %swap3A_463 = arith.index_cast %swap3A_462 : i32 to index
    %swap3A_464 = arith.constant 0 : index
    %swap3A_465 = tpu.vector_load %arg5[%swap3A_463, %swap3A_464] {strides = array<i32>} : memref<256x16xf32, #tpu.memory_space<vmem>>, vector<16xf32>,
    tpu.vector_store %arg5[%swap3A_463, %swap3A_464], %broadcast_in_dim3A_4 {strides = array<i32>} : memref<256x16xf32, #tpu.memory_space<vmem>>, vector<16xf32>,
    %swap3A_466 = arith.constant 115 : i32
    %swap3A_467 = arith.index_cast %swap3A_466 : i32 to index
    %swap3A_468 = arith.constant 0 : index
    %swap3A_469 = tpu.vector_load %arg5[%swap3A_467, %swap3A_468] {strides = array<i32>} : memref<256x16xf32, #tpu.memory_space<vmem>>, vector<16xf32>,
    tpu.vector_store %arg5[%swap3A_467, %swap3A_468], %broadcast_in_dim3A_4 {strides = array<i32>} : memref<256x16xf32, #tpu.memory_space<vmem>>, vector<16xf32>,
    %swap3A_470 = arith.constant 116 : i32
    %swap3A_471 = arith.index_cast %swap3A_470 : i32 to index
    %swap3A_472 = arith.constant 0 : index
    %swap3A_473 = tpu.vector_load %arg5[%swap3A_471, %swap3A_472] {strides = array<i32>} : memref<256x16xf32, #tpu.memory_space<vmem>>, vector<16xf32>,
    tpu.vector_store %arg5[%swap3A_471, %swap3A_472], %broadcast_in_dim3A_4 {strides = array<i32>} : memref<256x16xf32, #tpu.memory_space<vmem>>, vector<16xf32>,
    %swap3A_474 = arith.constant 117 : i32
    %swap3A_475 = arith.index_cast %swap3A_474 : i32 to index
    %swap3A_476 = arith.constant 0 : index
    %swap3A_477 = tpu.vector_load %arg5[%swap3A_475, %swap3A_476] {strides = array<i32>} : memref<256x16xf32, #tpu.memory_space<vmem>>, vector<16xf32>,
    tpu.vector_store %arg5[%swap3A_475, %swap3A_476], %broadcast_in_dim3A_4 {strides = array<i32>} : memref<256x16xf32, #tpu.memory_space<vmem>>, vector<16xf32>,
    %swap3A_478 = arith.constant 118 : i32
    %swap3A_479 = arith.index_cast %swap3A_478 : i32 to index
    %swap3A_480 = arith.constant 0 : index
    %swap3A_481 = tpu.vector_load %arg5[%swap3A_479, %swap3A_480] {strides = array<i32>} : memref<256x16xf32, #tpu.memory_space<vmem>>, vector<16xf32>,
    tpu.vector_store %arg5[%swap3A_479, %swap3A_480], %broadcast_in_dim3A_4 {strides = array<i32>} : memref<256x16xf32, #tpu.memory_space<vmem>>, vector<16xf32>,
    %swap3A_482 = arith.constant 119 : i32
    %swap3A_483 = arith.index_cast %swap3A_482 : i32 to index
    %swap3A_484 = arith.constant 0 : index
    %swap3A_485 = tpu.vector_load %arg5[%swap3A_483, %swap3A_484] {strides = array<i32>} : memref<256x16xf32, #tpu.memory_space<vmem>>, vector<16xf32>,
    tpu.vector_store %arg5[%swap3A_483, %swap3A_484], %broadcast_in_dim3A_4 {strides = array<i32>} : memref<256x16xf32, #tpu.memory_space<vmem>>, vector<16xf32>,
    %swap3A_486 = arith.constant 120 : i32
    %swap3A_487 = arith.index_cast %swap3A_486 : i32 to index
    %swap3A_488 = arith.constant 0 : index
    %swap3A_489 = tpu.vector_load %arg5[%swap3A_487, %swap3A_488] {strides = array<i32>} : memref<256x16xf32, #tpu.memory_space<vmem>>, vector<16xf32>,
    tpu.vector_store %arg5[%swap3A_487, %swap3A_488], %broadcast_in_dim3A_4 {strides = array<i32>} : memref<256x16xf32, #tpu.memory_space<vmem>>, vector<16xf32>,
    %swap3A_490 = arith.constant 121 : i32
    %swap3A_491 = arith.index_cast %swap3A_490 : i32 to index
    %swap3A_492 = arith.constant 0 : index
    %swap3A_493 = tpu.vector_load %arg5[%swap3A_491, %swap3A_492] {strides = array<i32>} : memref<256x16xf32, #tpu.memory_space<vmem>>, vector<16xf32>,
    tpu.vector_store %arg5[%swap3A_491, %swap3A_492], %broadcast_in_dim3A_4 {strides = array<i32>} : memref<256x16xf32, #tpu.memory_space<vmem>>, vector<16xf32>,
    %swap3A_494 = arith.constant 122 : i32
    %swap3A_495 = arith.index_cast %swap3A_494 : i32 to index
    %swap3A_496 = arith.constant 0 : index
    %swap3A_497 = tpu.vector_load %arg5[%swap3A_495, %swap3A_496] {strides = array<i32>} : memref<256x16xf32, #tpu.memory_space<vmem>>, vector<16xf32>,
    tpu.vector_store %arg5[%swap3A_495, %swap3A_496], %broadcast_in_dim3A_4 {strides = array<i32>} : memref<256x16xf32, #tpu.memory_space<vmem>>, vector<16xf32>,
    %swap3A_498 = arith.constant 123 : i32
    %swap3A_499 = arith.index_cast %swap3A_498 : i32 to index
    %swap3A_500 = arith.constant 0 : index
    %swap3A_501 = tpu.vector_load %arg5[%swap3A_499, %swap3A_500] {strides = array<i32>} : memref<256x16xf32, #tpu.memory_space<vmem>>, vector<16xf32>,
    tpu.vector_store %arg5[%swap3A_499, %swap3A_500], %broadcast_in_dim3A_4 {strides = array<i32>} : memref<256x16xf32, #tpu.memory_space<vmem>>, vector<16xf32>,
    %swap3A_502 = arith.constant 124 : i32
    %swap3A_503 = arith.index_cast %swap3A_502 : i32 to index
    %swap3A_504 = arith.constant 0 : index
    %swap3A_505 = tpu.vector_load %arg5[%swap3A_503, %swap3A_504] {strides = array<i32>} : memref<256x16xf32, #tpu.memory_space<vmem>>, vector<16xf32>,
    tpu.vector_store %arg5[%swap3A_503, %swap3A_504], %broadcast_in_dim3A_4 {strides = array<i32>} : memref<256x16xf32, #tpu.memory_space<vmem>>, vector<16xf32>,
    %swap3A_506 = arith.constant 125 : i32
    %swap3A_507 = arith.index_cast %swap3A_506 : i32 to index
    %swap3A_508 = arith.constant 0 : index
    %swap3A_509 = tpu.vector_load %arg5[%swap3A_507, %swap3A_508] {strides = array<i32>} : memref<256x16xf32, #tpu.memory_space<vmem>>, vector<16xf32>,
    tpu.vector_store %arg5[%swap3A_507, %swap3A_508], %broadcast_in_dim3A_4 {strides = array<i32>} : memref<256x16xf32, #tpu.memory_space<vmem>>, vector<16xf32>,
    %swap3A_510 = arith.constant 126 : i32
    %swap3A_511 = arith.index_cast %swap3A_510 : i32 to index
    %swap3A_512 = arith.constant 0 : index
    %swap3A_513 = tpu.vector_load %arg5[%swap3A_511, %swap3A_512] {strides = array<i32>} : memref<256x16xf32, #tpu.memory_space<vmem>>, vector<16xf32>,
    tpu.vector_store %arg5[%swap3A_511, %swap3A_512], %broadcast_in_dim3A_4 {strides = array<i32>} : memref<256x16xf32, #tpu.memory_space<vmem>>, vector<16xf32>,
    %swap3A_514 = arith.constant 127 : i32
    %swap3A_515 = arith.index_cast %swap3A_514 : i32 to index
    %swap3A_516 = arith.constant 0 : index
    %swap3A_517 = tpu.vector_load %arg5[%swap3A_515, %swap3A_516] {strides = array<i32>} : memref<256x16xf32, #tpu.memory_space<vmem>>, vector<16xf32>,
    tpu.vector_store %arg5[%swap3A_515, %swap3A_516], %broadcast_in_dim3A_4 {strides = array<i32>} : memref<256x16xf32, #tpu.memory_space<vmem>>, vector<16xf32>,
    %swap3A_518 = arith.constant 128 : i32
    %swap3A_519 = arith.index_cast %swap3A_518 : i32 to index
    %swap3A_520 = arith.constant 0 : index
    %swap3A_521 = tpu.vector_load %arg5[%swap3A_519, %swap3A_520] {strides = array<i32>} : memref<256x16xf32, #tpu.memory_space<vmem>>, vector<16xf32>,
    tpu.vector_store %arg5[%swap3A_519, %swap3A_520], %broadcast_in_dim3A_4 {strides = array<i32>} : memref<256x16xf32, #tpu.memory_space<vmem>>, vector<16xf32>,
    %swap3A_522 = arith.constant 129 : i32
    %swap3A_523 = arith.index_cast %swap3A_522 : i32 to index
    %swap3A_524 = arith.constant 0 : index
    %swap3A_525 = tpu.vector_load %arg5[%swap3A_523, %swap3A_524] {strides = array<i32>} : memref<256x16xf32, #tpu.memory_space<vmem>>, vector<16xf32>,
    tpu.vector_store %arg5[%swap3A_523, %swap3A_524], %broadcast_in_dim3A_4 {strides = array<i32>} : memref<256x16xf32, #tpu.memory_space<vmem>>, vector<16xf32>,
    %swap3A_526 = arith.constant 130 : i32
    %swap3A_527 = arith.index_cast %swap3A_526 : i32 to index
    %swap3A_528 = arith.constant 0 : index
    %swap3A_529 = tpu.vector_load %arg5[%swap3A_527, %swap3A_528] {strides = array<i32>} : memref<256x16xf32, #tpu.memory_space<vmem>>, vector<16xf32>,
    tpu.vector_store %arg5[%swap3A_527, %swap3A_528], %broadcast_in_dim3A_4 {strides = array<i32>} : memref<256x16xf32, #tpu.memory_space<vmem>>, vector<16xf32>,
    %swap3A_530 = arith.constant 131 : i32
    %swap3A_531 = arith.index_cast %swap3A_530 : i32 to index
    %swap3A_532 = arith.constant 0 : index
    %swap3A_533 = tpu.vector_load %arg5[%swap3A_531, %swap3A_532] {strides = array<i32>} : memref<256x16xf32, #tpu.memory_space<vmem>>, vector<16xf32>,
    tpu.vector_store %arg5[%swap3A_531, %swap3A_532], %broadcast_in_dim3A_4 {strides = array<i32>} : memref<256x16xf32, #tpu.memory_space<vmem>>, vector<16xf32>,
    %swap3A_534 = arith.constant 132 : i32
    %swap3A_535 = arith.index_cast %swap3A_534 : i32 to index
    %swap3A_536 = arith.constant 0 : index
    %swap3A_537 = tpu.vector_load %arg5[%swap3A_535, %swap3A_536] {strides = array<i32>} : memref<256x16xf32, #tpu.memory_space<vmem>>, vector<16xf32>,
    tpu.vector_store %arg5[%swap3A_535, %swap3A_536], %broadcast_in_dim3A_4 {strides = array<i32>} : memref<256x16xf32, #tpu.memory_space<vmem>>, vector<16xf32>,
    %swap3A_538 = arith.constant 133 : i32
    %swap3A_539 = arith.index_cast %swap3A_538 : i32 to index
    %swap3A_540 = arith.constant 0 : index
    %swap3A_541 = tpu.vector_load %arg5[%swap3A_539, %swap3A_540] {strides = array<i32>} : memref<256x16xf32, #tpu.memory_space<vmem>>, vector<16xf32>,
    tpu.vector_store %arg5[%swap3A_539, %swap3A_540], %broadcast_in_dim3A_4 {strides = array<i32>} : memref<256x16xf32, #tpu.memory_space<vmem>>, vector<16xf32>,
    %swap3A_542 = arith.constant 134 : i32
    %swap3A_543 = arith.index_cast %swap3A_542 : i32 to index
    %swap3A_544 = arith.constant 0 : index
    %swap3A_545 = tpu.vector_load %arg5[%swap3A_543, %swap3A_544] {strides = array<i32>} : memref<256x16xf32, #tpu.memory_space<vmem>>, vector<16xf32>,
    tpu.vector_store %arg5[%swap3A_543, %swap3A_544], %broadcast_in_dim3A_4 {strides = array<i32>} : memref<256x16xf32, #tpu.memory_space<vmem>>, vector<16xf32>,
    %swap3A_546 = arith.constant 135 : i32
    %swap3A_547 = arith.index_cast %swap3A_546 : i32 to index
    %swap3A_548 = arith.constant 0 : index
    %swap3A_549 = tpu.vector_load %arg5[%swap3A_547, %swap3A_548] {strides = array<i32>} : memref<256x16xf32, #tpu.memory_space<vmem>>, vector<16xf32>,
    tpu.vector_store %arg5[%swap3A_547, %swap3A_548], %broadcast_in_dim3A_4 {strides = array<i32>} : memref<256x16xf32, #tpu.memory_space<vmem>>, vector<16xf32>,
    %swap3A_550 = arith.constant 136 : i32
    %swap3A_551 = arith.index_cast %swap3A_550 : i32 to index
    %swap3A_552 = arith.constant 0 : index
    %swap3A_553 = tpu.vector_load %arg5[%swap3A_551, %swap3A_552] {strides = array<i32>} : memref<256x16xf32, #tpu.memory_space<vmem>>, vector<16xf32>,
    tpu.vector_store %arg5[%swap3A_551, %swap3A_552], %broadcast_in_dim3A_4 {strides = array<i32>} : memref<256x16xf32, #tpu.memory_space<vmem>>, vector<16xf32>,
    %swap3A_554 = arith.constant 137 : i32
    %swap3A_555 = arith.index_cast %swap3A_554 : i32 to index
    %swap3A_556 = arith.constant 0 : index
    %swap3A_557 = tpu.vector_load %arg5[%swap3A_555, %swap3A_556] {strides = array<i32>} : memref<256x16xf32, #tpu.memory_space<vmem>>, vector<16xf32>,
    tpu.vector_store %arg5[%swap3A_555, %swap3A_556], %broadcast_in_dim3A_4 {strides = array<i32>} : memref<256x16xf32, #tpu.memory_space<vmem>>, vector<16xf32>,
    %swap3A_558 = arith.constant 138 : i32
    %swap3A_559 = arith.index_cast %swap3A_558 : i32 to index
    %swap3A_560 = arith.constant 0 : index
    %swap3A_561 = tpu.vector_load %arg5[%swap3A_559, %swap3A_560] {strides = array<i32>} : memref<256x16xf32, #tpu.memory_space<vmem>>, vector<16xf32>,
    tpu.vector_store %arg5[%swap3A_559, %swap3A_560], %broadcast_in_dim3A_4 {strides = array<i32>} : memref<256x16xf32, #tpu.memory_space<vmem>>, vector<16xf32>,
    %swap3A_562 = arith.constant 139 : i32
    %swap3A_563 = arith.index_cast %swap3A_562 : i32 to index
    %swap3A_564 = arith.constant 0 : index
    %swap3A_565 = tpu.vector_load %arg5[%swap3A_563, %swap3A_564] {strides = array<i32>} : memref<256x16xf32, #tpu.memory_space<vmem>>, vector<16xf32>,
    tpu.vector_store %arg5[%swap3A_563, %swap3A_564], %broadcast_in_dim3A_4 {strides = array<i32>} : memref<256x16xf32, #tpu.memory_space<vmem>>, vector<16xf32>,
    %swap3A_566 = arith.constant 140 : i32
    %swap3A_567 = arith.index_cast %swap3A_566 : i32 to index
    %swap3A_568 = arith.constant 0 : index
    %swap3A_569 = tpu.vector_load %arg5[%swap3A_567, %swap3A_568] {strides = array<i32>} : memref<256x16xf32, #tpu.memory_space<vmem>>, vector<16xf32>,
    tpu.vector_store %arg5[%swap3A_567, %swap3A_568], %broadcast_in_dim3A_4 {strides = array<i32>} : memref<256x16xf32, #tpu.memory_space<vmem>>, vector<16xf32>,
    %swap3A_570 = arith.constant 141 : i32
    %swap3A_571 = arith.index_cast %swap3A_570 : i32 to index
    %swap3A_572 = arith.constant 0 : index
    %swap3A_573 = tpu.vector_load %arg5[%swap3A_571, %swap3A_572] {strides = array<i32>} : memref<256x16xf32, #tpu.memory_space<vmem>>, vector<16xf32>,
    tpu.vector_store %arg5[%swap3A_571, %swap3A_572], %broadcast_in_dim3A_4 {strides = array<i32>} : memref<256x16xf32, #tpu.memory_space<vmem>>, vector<16xf32>,
    %swap3A_574 = arith.constant 142 : i32
    %swap3A_575 = arith.index_cast %swap3A_574 : i32 to index
    %swap3A_576 = arith.constant 0 : index
    %swap3A_577 = tpu.vector_load %arg5[%swap3A_575, %swap3A_576] {strides = array<i32>} : memref<256x16xf32, #tpu.memory_space<vmem>>, vector<16xf32>,
    tpu.vector_store %arg5[%swap3A_575, %swap3A_576], %broadcast_in_dim3A_4 {strides = array<i32>} : memref<256x16xf32, #tpu.memory_space<vmem>>, vector<16xf32>,
    %swap3A_578 = arith.constant 143 : i32
    %swap3A_579 = arith.index_cast %swap3A_578 : i32 to index
    %swap3A_580 = arith.constant 0 : index
    %swap3A_581 = tpu.vector_load %arg5[%swap3A_579, %swap3A_580] {strides = array<i32>} : memref<256x16xf32, #tpu.memory_space<vmem>>, vector<16xf32>,
    tpu.vector_store %arg5[%swap3A_579, %swap3A_580], %broadcast_in_dim3A_4 {strides = array<i32>} : memref<256x16xf32, #tpu.memory_space<vmem>>, vector<16xf32>,
    %swap3A_582 = arith.constant 144 : i32
    %swap3A_583 = arith.index_cast %swap3A_582 : i32 to index
    %swap3A_584 = arith.constant 0 : index
    %swap3A_585 = tpu.vector_load %arg5[%swap3A_583, %swap3A_584] {strides = array<i32>} : memref<256x16xf32, #tpu.memory_space<vmem>>, vector<16xf32>,
    tpu.vector_store %arg5[%swap3A_583, %swap3A_584], %broadcast_in_dim3A_4 {strides = array<i32>} : memref<256x16xf32, #tpu.memory_space<vmem>>, vector<16xf32>,
    %swap3A_586 = arith.constant 145 : i32
    %swap3A_587 = arith.index_cast %swap3A_586 : i32 to index
    %swap3A_588 = arith.constant 0 : index
    %swap3A_589 = tpu.vector_load %arg5[%swap3A_587, %swap3A_588] {strides = array<i32>} : memref<256x16xf32, #tpu.memory_space<vmem>>, vector<16xf32>,
    tpu.vector_store %arg5[%swap3A_587, %swap3A_588], %broadcast_in_dim3A_4 {strides = array<i32>} : memref<256x16xf32, #tpu.memory_space<vmem>>, vector<16xf32>,
    %swap3A_590 = arith.constant 146 : i32
    %swap3A_591 = arith.index_cast %swap3A_590 : i32 to index
    %swap3A_592 = arith.constant 0 : index
    %swap3A_593 = tpu.vector_load %arg5[%swap3A_591, %swap3A_592] {strides = array<i32>} : memref<256x16xf32, #tpu.memory_space<vmem>>, vector<16xf32>,
    tpu.vector_store %arg5[%swap3A_591, %swap3A_592], %broadcast_in_dim3A_4 {strides = array<i32>} : memref<256x16xf32, #tpu.memory_space<vmem>>, vector<16xf32>,
    %swap3A_594 = arith.constant 147 : i32
    %swap3A_595 = arith.index_cast %swap3A_594 : i32 to index
    %swap3A_596 = arith.constant 0 : index
    %swap3A_597 = tpu.vector_load %arg5[%swap3A_595, %swap3A_596] {strides = array<i32>} : memref<256x16xf32, #tpu.memory_space<vmem>>, vector<16xf32>,
    tpu.vector_store %arg5[%swap3A_595, %swap3A_596], %broadcast_in_dim3A_4 {strides = array<i32>} : memref<256x16xf32, #tpu.memory_space<vmem>>, vector<16xf32>,
    %swap3A_598 = arith.constant 148 : i32
    %swap3A_599 = arith.index_cast %swap3A_598 : i32 to index
    %swap3A_600 = arith.constant 0 : index
    %swap3A_601 = tpu.vector_load %arg5[%swap3A_599, %swap3A_600] {strides = array<i32>} : memref<256x16xf32, #tpu.memory_space<vmem>>, vector<16xf32>,
    tpu.vector_store %arg5[%swap3A_599, %swap3A_600], %broadcast_in_dim3A_4 {strides = array<i32>} : memref<256x16xf32, #tpu.memory_space<vmem>>, vector<16xf32>,
    %swap3A_602 = arith.constant 149 : i32
    %swap3A_603 = arith.index_cast %swap3A_602 : i32 to index
    %swap3A_604 = arith.constant 0 : index
    %swap3A_605 = tpu.vector_load %arg5[%swap3A_603, %swap3A_604] {strides = array<i32>} : memref<256x16xf32, #tpu.memory_space<vmem>>, vector<16xf32>,
    tpu.vector_store %arg5[%swap3A_603, %swap3A_604], %broadcast_in_dim3A_4 {strides = array<i32>} : memref<256x16xf32, #tpu.memory_space<vmem>>, vector<16xf32>,
    %swap3A_606 = arith.constant 150 : i32
    %swap3A_607 = arith.index_cast %swap3A_606 : i32 to index
    %swap3A_608 = arith.constant 0 : index
    %swap3A_609 = tpu.vector_load %arg5[%swap3A_607, %swap3A_608] {strides = array<i32>} : memref<256x16xf32, #tpu.memory_space<vmem>>, vector<16xf32>,
    tpu.vector_store %arg5[%swap3A_607, %swap3A_608], %broadcast_in_dim3A_4 {strides = array<i32>} : memref<256x16xf32, #tpu.memory_space<vmem>>, vector<16xf32>,
    %swap3A_610 = arith.constant 151 : i32
    %swap3A_611 = arith.index_cast %swap3A_610 : i32 to index
    %swap3A_612 = arith.constant 0 : index
    %swap3A_613 = tpu.vector_load %arg5[%swap3A_611, %swap3A_612] {strides = array<i32>} : memref<256x16xf32, #tpu.memory_space<vmem>>, vector<16xf32>,
    tpu.vector_store %arg5[%swap3A_611, %swap3A_612], %broadcast_in_dim3A_4 {strides = array<i32>} : memref<256x16xf32, #tpu.memory_space<vmem>>, vector<16xf32>,
    %swap3A_614 = arith.constant 152 : i32
    %swap3A_615 = arith.index_cast %swap3A_614 : i32 to index
    %swap3A_616 = arith.constant 0 : index
    %swap3A_617 = tpu.vector_load %arg5[%swap3A_615, %swap3A_616] {strides = array<i32>} : memref<256x16xf32, #tpu.memory_space<vmem>>, vector<16xf32>,
    tpu.vector_store %arg5[%swap3A_615, %swap3A_616], %broadcast_in_dim3A_4 {strides = array<i32>} : memref<256x16xf32, #tpu.memory_space<vmem>>, vector<16xf32>,
    %swap3A_618 = arith.constant 153 : i32
    %swap3A_619 = arith.index_cast %swap3A_618 : i32 to index
    %swap3A_620 = arith.constant 0 : index
    %swap3A_621 = tpu.vector_load %arg5[%swap3A_619, %swap3A_620] {strides = array<i32>} : memref<256x16xf32, #tpu.memory_space<vmem>>, vector<16xf32>,
    tpu.vector_store %arg5[%swap3A_619, %swap3A_620], %broadcast_in_dim3A_4 {strides = array<i32>} : memref<256x16xf32, #tpu.memory_space<vmem>>, vector<16xf32>,
    %swap3A_622 = arith.constant 154 : i32
    %swap3A_623 = arith.index_cast %swap3A_622 : i32 to index
    %swap3A_624 = arith.constant 0 : index
    %swap3A_625 = tpu.vector_load %arg5[%swap3A_623, %swap3A_624] {strides = array<i32>} : memref<256x16xf32, #tpu.memory_space<vmem>>, vector<16xf32>,
    tpu.vector_store %arg5[%swap3A_623, %swap3A_624], %broadcast_in_dim3A_4 {strides = array<i32>} : memref<256x16xf32, #tpu.memory_space<vmem>>, vector<16xf32>,
    %swap3A_626 = arith.constant 155 : i32
    %swap3A_627 = arith.index_cast %swap3A_626 : i32 to index
    %swap3A_628 = arith.constant 0 : index
    %swap3A_629 = tpu.vector_load %arg5[%swap3A_627, %swap3A_628] {strides = array<i32>} : memref<256x16xf32, #tpu.memory_space<vmem>>, vector<16xf32>,
    tpu.vector_store %arg5[%swap3A_627, %swap3A_628], %broadcast_in_dim3A_4 {strides = array<i32>} : memref<256x16xf32, #tpu.memory_space<vmem>>, vector<16xf32>,
    %swap3A_630 = arith.constant 156 : i32
    %swap3A_631 = arith.index_cast %swap3A_630 : i32 to index
    %swap3A_632 = arith.constant 0 : index
    %swap3A_633 = tpu.vector_load %arg5[%swap3A_631, %swap3A_632] {strides = array<i32>} : memref<256x16xf32, #tpu.memory_space<vmem>>, vector<16xf32>,
    tpu.vector_store %arg5[%swap3A_631, %swap3A_632], %broadcast_in_dim3A_4 {strides = array<i32>} : memref<256x16xf32, #tpu.memory_space<vmem>>, vector<16xf32>,
    %swap3A_634 = arith.constant 157 : i32
    %swap3A_635 = arith.index_cast %swap3A_634 : i32 to index
    %swap3A_636 = arith.constant 0 : index
    %swap3A_637 = tpu.vector_load %arg5[%swap3A_635, %swap3A_636] {strides = array<i32>} : memref<256x16xf32, #tpu.memory_space<vmem>>, vector<16xf32>,
    tpu.vector_store %arg5[%swap3A_635, %swap3A_636], %broadcast_in_dim3A_4 {strides = array<i32>} : memref<256x16xf32, #tpu.memory_space<vmem>>, vector<16xf32>,
    %swap3A_638 = arith.constant 158 : i32
    %swap3A_639 = arith.index_cast %swap3A_638 : i32 to index
    %swap3A_640 = arith.constant 0 : index
    %swap3A_641 = tpu.vector_load %arg5[%swap3A_639, %swap3A_640] {strides = array<i32>} : memref<256x16xf32, #tpu.memory_space<vmem>>, vector<16xf32>,
    tpu.vector_store %arg5[%swap3A_639, %swap3A_640], %broadcast_in_dim3A_4 {strides = array<i32>} : memref<256x16xf32, #tpu.memory_space<vmem>>, vector<16xf32>,
    %swap3A_642 = arith.constant 159 : i32
    %swap3A_643 = arith.index_cast %swap3A_642 : i32 to index
    %swap3A_644 = arith.constant 0 : index
    %swap3A_645 = tpu.vector_load %arg5[%swap3A_643, %swap3A_644] {strides = array<i32>} : memref<256x16xf32, #tpu.memory_space<vmem>>, vector<16xf32>,
    tpu.vector_store %arg5[%swap3A_643, %swap3A_644], %broadcast_in_dim3A_4 {strides = array<i32>} : memref<256x16xf32, #tpu.memory_space<vmem>>, vector<16xf32>,
    %swap3A_646 = arith.constant 160 : i32
    %swap3A_647 = arith.index_cast %swap3A_646 : i32 to index
    %swap3A_648 = arith.constant 0 : index
    %swap3A_649 = tpu.vector_load %arg5[%swap3A_647, %swap3A_648] {strides = array<i32>} : memref<256x16xf32, #tpu.memory_space<vmem>>, vector<16xf32>,
    tpu.vector_store %arg5[%swap3A_647, %swap3A_648], %broadcast_in_dim3A_4 {strides = array<i32>} : memref<256x16xf32, #tpu.memory_space<vmem>>, vector<16xf32>,
    %swap3A_650 = arith.constant 161 : i32
    %swap3A_651 = arith.index_cast %swap3A_650 : i32 to index
    %swap3A_652 = arith.constant 0 : index
    %swap3A_653 = tpu.vector_load %arg5[%swap3A_651, %swap3A_652] {strides = array<i32>} : memref<256x16xf32, #tpu.memory_space<vmem>>, vector<16xf32>,
    tpu.vector_store %arg5[%swap3A_651, %swap3A_652], %broadcast_in_dim3A_4 {strides = array<i32>} : memref<256x16xf32, #tpu.memory_space<vmem>>, vector<16xf32>,
    %swap3A_654 = arith.constant 162 : i32
    %swap3A_655 = arith.index_cast %swap3A_654 : i32 to index
    %swap3A_656 = arith.constant 0 : index
    %swap3A_657 = tpu.vector_load %arg5[%swap3A_655, %swap3A_656] {strides = array<i32>} : memref<256x16xf32, #tpu.memory_space<vmem>>, vector<16xf32>,
    tpu.vector_store %arg5[%swap3A_655, %swap3A_656], %broadcast_in_dim3A_4 {strides = array<i32>} : memref<256x16xf32, #tpu.memory_space<vmem>>, vector<16xf32>,
    %swap3A_658 = arith.constant 163 : i32
    %swap3A_659 = arith.index_cast %swap3A_658 : i32 to index
    %swap3A_660 = arith.constant 0 : index
    %swap3A_661 = tpu.vector_load %arg5[%swap3A_659, %swap3A_660] {strides = array<i32>} : memref<256x16xf32, #tpu.memory_space<vmem>>, vector<16xf32>,
    tpu.vector_store %arg5[%swap3A_659, %swap3A_660], %broadcast_in_dim3A_4 {strides = array<i32>} : memref<256x16xf32, #tpu.memory_space<vmem>>, vector<16xf32>,
    %swap3A_662 = arith.constant 164 : i32
    %swap3A_663 = arith.index_cast %swap3A_662 : i32 to index
    %swap3A_664 = arith.constant 0 : index
    %swap3A_665 = tpu.vector_load %arg5[%swap3A_663, %swap3A_664] {strides = array<i32>} : memref<256x16xf32, #tpu.memory_space<vmem>>, vector<16xf32>,
    tpu.vector_store %arg5[%swap3A_663, %swap3A_664], %broadcast_in_dim3A_4 {strides = array<i32>} : memref<256x16xf32, #tpu.memory_space<vmem>>, vector<16xf32>,
    %swap3A_666 = arith.constant 165 : i32
    %swap3A_667 = arith.index_cast %swap3A_666 : i32 to index
    %swap3A_668 = arith.constant 0 : index
    %swap3A_669 = tpu.vector_load %arg5[%swap3A_667, %swap3A_668] {strides = array<i32>} : memref<256x16xf32, #tpu.memory_space<vmem>>, vector<16xf32>,
    tpu.vector_store %arg5[%swap3A_667, %swap3A_668], %broadcast_in_dim3A_4 {strides = array<i32>} : memref<256x16xf32, #tpu.memory_space<vmem>>, vector<16xf32>,
    %swap3A_670 = arith.constant 166 : i32
    %swap3A_671 = arith.index_cast %swap3A_670 : i32 to index
    %swap3A_672 = arith.constant 0 : index
    %swap3A_673 = tpu.vector_load %arg5[%swap3A_671, %swap3A_672] {strides = array<i32>} : memref<256x16xf32, #tpu.memory_space<vmem>>, vector<16xf32>,
    tpu.vector_store %arg5[%swap3A_671, %swap3A_672], %broadcast_in_dim3A_4 {strides = array<i32>} : memref<256x16xf32, #tpu.memory_space<vmem>>, vector<16xf32>,
    %swap3A_674 = arith.constant 167 : i32
    %swap3A_675 = arith.index_cast %swap3A_674 : i32 to index
    %swap3A_676 = arith.constant 0 : index
    %swap3A_677 = tpu.vector_load %arg5[%swap3A_675, %swap3A_676] {strides = array<i32>} : memref<256x16xf32, #tpu.memory_space<vmem>>, vector<16xf32>,
    tpu.vector_store %arg5[%swap3A_675, %swap3A_676], %broadcast_in_dim3A_4 {strides = array<i32>} : memref<256x16xf32, #tpu.memory_space<vmem>>, vector<16xf32>,
    %swap3A_678 = arith.constant 168 : i32
    %swap3A_679 = arith.index_cast %swap3A_678 : i32 to index
    %swap3A_680 = arith.constant 0 : index
    %swap3A_681 = tpu.vector_load %arg5[%swap3A_679, %swap3A_680] {strides = array<i32>} : memref<256x16xf32, #tpu.memory_space<vmem>>, vector<16xf32>,
    tpu.vector_store %arg5[%swap3A_679, %swap3A_680], %broadcast_in_dim3A_4 {strides = array<i32>} : memref<256x16xf32, #tpu.memory_space<vmem>>, vector<16xf32>,
    %swap3A_682 = arith.constant 169 : i32
    %swap3A_683 = arith.index_cast %swap3A_682 : i32 to index
    %swap3A_684 = arith.constant 0 : index
    %swap3A_685 = tpu.vector_load %arg5[%swap3A_683, %swap3A_684] {strides = array<i32>} : memref<256x16xf32, #tpu.memory_space<vmem>>, vector<16xf32>,
    tpu.vector_store %arg5[%swap3A_683, %swap3A_684], %broadcast_in_dim3A_4 {strides = array<i32>} : memref<256x16xf32, #tpu.memory_space<vmem>>, vector<16xf32>,
    %swap3A_686 = arith.constant 170 : i32
    %swap3A_687 = arith.index_cast %swap3A_686 : i32 to index
    %swap3A_688 = arith.constant 0 : index
    %swap3A_689 = tpu.vector_load %arg5[%swap3A_687, %swap3A_688] {strides = array<i32>} : memref<256x16xf32, #tpu.memory_space<vmem>>, vector<16xf32>,
    tpu.vector_store %arg5[%swap3A_687, %swap3A_688], %broadcast_in_dim3A_4 {strides = array<i32>} : memref<256x16xf32, #tpu.memory_space<vmem>>, vector<16xf32>,
    %swap3A_690 = arith.constant 171 : i32
    %swap3A_691 = arith.index_cast %swap3A_690 : i32 to index
    %swap3A_692 = arith.constant 0 : index
    %swap3A_693 = tpu.vector_load %arg5[%swap3A_691, %swap3A_692] {strides = array<i32>} : memref<256x16xf32, #tpu.memory_space<vmem>>, vector<16xf32>,
    tpu.vector_store %arg5[%swap3A_691, %swap3A_692], %broadcast_in_dim3A_4 {strides = array<i32>} : memref<256x16xf32, #tpu.memory_space<vmem>>, vector<16xf32>,
    %swap3A_694 = arith.constant 172 : i32
    %swap3A_695 = arith.index_cast %swap3A_694 : i32 to index
    %swap3A_696 = arith.constant 0 : index
    %swap3A_697 = tpu.vector_load %arg5[%swap3A_695, %swap3A_696] {strides = array<i32>} : memref<256x16xf32, #tpu.memory_space<vmem>>, vector<16xf32>,
    tpu.vector_store %arg5[%swap3A_695, %swap3A_696], %broadcast_in_dim3A_4 {strides = array<i32>} : memref<256x16xf32, #tpu.memory_space<vmem>>, vector<16xf32>,
    %swap3A_698 = arith.constant 173 : i32
    %swap3A_699 = arith.index_cast %swap3A_698 : i32 to index
    %swap3A_700 = arith.constant 0 : index
    %swap3A_701 = tpu.vector_load %arg5[%swap3A_699, %swap3A_700] {strides = array<i32>} : memref<256x16xf32, #tpu.memory_space<vmem>>, vector<16xf32>,
    tpu.vector_store %arg5[%swap3A_699, %swap3A_700], %broadcast_in_dim3A_4 {strides = array<i32>} : memref<256x16xf32, #tpu.memory_space<vmem>>, vector<16xf32>,
    %swap3A_702 = arith.constant 174 : i32
    %swap3A_703 = arith.index_cast %swap3A_702 : i32 to index
    %swap3A_704 = arith.constant 0 : index
    %swap3A_705 = tpu.vector_load %arg5[%swap3A_703, %swap3A_704] {strides = array<i32>} : memref<256x16xf32, #tpu.memory_space<vmem>>, vector<16xf32>,
    tpu.vector_store %arg5[%swap3A_703, %swap3A_704], %broadcast_in_dim3A_4 {strides = array<i32>} : memref<256x16xf32, #tpu.memory_space<vmem>>, vector<16xf32>,
    %swap3A_706 = arith.constant 175 : i32
    %swap3A_707 = arith.index_cast %swap3A_706 : i32 to index
    %swap3A_708 = arith.constant 0 : index
    %swap3A_709 = tpu.vector_load %arg5[%swap3A_707, %swap3A_708] {strides = array<i32>} : memref<256x16xf32, #tpu.memory_space<vmem>>, vector<16xf32>,
    tpu.vector_store %arg5[%swap3A_707, %swap3A_708], %broadcast_in_dim3A_4 {strides = array<i32>} : memref<256x16xf32, #tpu.memory_space<vmem>>, vector<16xf32>,
    %swap3A_710 = arith.constant 176 : i32
    %swap3A_711 = arith.index_cast %swap3A_710 : i32 to index
    %swap3A_712 = arith.constant 0 : index
    %swap3A_713 = tpu.vector_load %arg5[%swap3A_711, %swap3A_712] {strides = array<i32>} : memref<256x16xf32, #tpu.memory_space<vmem>>, vector<16xf32>,
    tpu.vector_store %arg5[%swap3A_711, %swap3A_712], %broadcast_in_dim3A_4 {strides = array<i32>} : memref<256x16xf32, #tpu.memory_space<vmem>>, vector<16xf32>,
    %swap3A_714 = arith.constant 177 : i32
    %swap3A_715 = arith.index_cast %swap3A_714 : i32 to index
    %swap3A_716 = arith.constant 0 : index
    %swap3A_717 = tpu.vector_load %arg5[%swap3A_715, %swap3A_716] {strides = array<i32>} : memref<256x16xf32, #tpu.memory_space<vmem>>, vector<16xf32>,
    tpu.vector_store %arg5[%swap3A_715, %swap3A_716], %broadcast_in_dim3A_4 {strides = array<i32>} : memref<256x16xf32, #tpu.memory_space<vmem>>, vector<16xf32>,
    %swap3A_718 = arith.constant 178 : i32
    %swap3A_719 = arith.index_cast %swap3A_718 : i32 to index
    %swap3A_720 = arith.constant 0 : index
    %swap3A_721 = tpu.vector_load %arg5[%swap3A_719, %swap3A_720] {strides = array<i32>} : memref<256x16xf32, #tpu.memory_space<vmem>>, vector<16xf32>,
    tpu.vector_store %arg5[%swap3A_719, %swap3A_720], %broadcast_in_dim3A_4 {strides = array<i32>} : memref<256x16xf32, #tpu.memory_space<vmem>>, vector<16xf32>,
    %swap3A_722 = arith.constant 179 : i32
    %swap3A_723 = arith.index_cast %swap3A_722 : i32 to index
    %swap3A_724 = arith.constant 0 : index
    %swap3A_725 = tpu.vector_load %arg5[%swap3A_723, %swap3A_724] {strides = array<i32>} : memref<256x16xf32, #tpu.memory_space<vmem>>, vector<16xf32>,
    tpu.vector_store %arg5[%swap3A_723, %swap3A_724], %broadcast_in_dim3A_4 {strides = array<i32>} : memref<256x16xf32, #tpu.memory_space<vmem>>, vector<16xf32>,
    %swap3A_726 = arith.constant 180 : i32
    %swap3A_727 = arith.index_cast %swap3A_726 : i32 to index
    %swap3A_728 = arith.constant 0 : index
    %swap3A_729 = tpu.vector_load %arg5[%swap3A_727, %swap3A_728] {strides = array<i32>} : memref<256x16xf32, #tpu.memory_space<vmem>>, vector<16xf32>,
    tpu.vector_store %arg5[%swap3A_727, %swap3A_728], %broadcast_in_dim3A_4 {strides = array<i32>} : memref<256x16xf32, #tpu.memory_space<vmem>>, vector<16xf32>,
    %swap3A_730 = arith.constant 181 : i32
    %swap3A_731 = arith.index_cast %swap3A_730 : i32 to index
    %swap3A_732 = arith.constant 0 : index
    %swap3A_733 = tpu.vector_load %arg5[%swap3A_731, %swap3A_732] {strides = array<i32>} : memref<256x16xf32, #tpu.memory_space<vmem>>, vector<16xf32>,
    tpu.vector_store %arg5[%swap3A_731, %swap3A_732], %broadcast_in_dim3A_4 {strides = array<i32>} : memref<256x16xf32, #tpu.memory_space<vmem>>, vector<16xf32>,
    %swap3A_734 = arith.constant 182 : i32
    %swap3A_735 = arith.index_cast %swap3A_734 : i32 to index
    %swap3A_736 = arith.constant 0 : index
    %swap3A_737 = tpu.vector_load %arg5[%swap3A_735, %swap3A_736] {strides = array<i32>} : memref<256x16xf32, #tpu.memory_space<vmem>>, vector<16xf32>,
    tpu.vector_store %arg5[%swap3A_735, %swap3A_736], %broadcast_in_dim3A_4 {strides = array<i32>} : memref<256x16xf32, #tpu.memory_space<vmem>>, vector<16xf32>,
    %swap3A_738 = arith.constant 183 : i32
    %swap3A_739 = arith.index_cast %swap3A_738 : i32 to index
    %swap3A_740 = arith.constant 0 : index
    %swap3A_741 = tpu.vector_load %arg5[%swap3A_739, %swap3A_740] {strides = array<i32>} : memref<256x16xf32, #tpu.memory_space<vmem>>, vector<16xf32>,
    tpu.vector_store %arg5[%swap3A_739, %swap3A_740], %broadcast_in_dim3A_4 {strides = array<i32>} : memref<256x16xf32, #tpu.memory_space<vmem>>, vector<16xf32>,
    %swap3A_742 = arith.constant 184 : i32
    %swap3A_743 = arith.index_cast %swap3A_742 : i32 to index
    %swap3A_744 = arith.constant 0 : index
    %swap3A_745 = tpu.vector_load %arg5[%swap3A_743, %swap3A_744] {strides = array<i32>} : memref<256x16xf32, #tpu.memory_space<vmem>>, vector<16xf32>,
    tpu.vector_store %arg5[%swap3A_743, %swap3A_744], %broadcast_in_dim3A_4 {strides = array<i32>} : memref<256x16xf32, #tpu.memory_space<vmem>>, vector<16xf32>,
    %swap3A_746 = arith.constant 185 : i32
    %swap3A_747 = arith.index_cast %swap3A_746 : i32 to index
    %swap3A_748 = arith.constant 0 : index
    %swap3A_749 = tpu.vector_load %arg5[%swap3A_747, %swap3A_748] {strides = array<i32>} : memref<256x16xf32, #tpu.memory_space<vmem>>, vector<16xf32>,
    tpu.vector_store %arg5[%swap3A_747, %swap3A_748], %broadcast_in_dim3A_4 {strides = array<i32>} : memref<256x16xf32, #tpu.memory_space<vmem>>, vector<16xf32>,
    %swap3A_750 = arith.constant 186 : i32
    %swap3A_751 = arith.index_cast %swap3A_750 : i32 to index
    %swap3A_752 = arith.constant 0 : index
    %swap3A_753 = tpu.vector_load %arg5[%swap3A_751, %swap3A_752] {strides = array<i32>} : memref<256x16xf32, #tpu.memory_space<vmem>>, vector<16xf32>,
    tpu.vector_store %arg5[%swap3A_751, %swap3A_752], %broadcast_in_dim3A_4 {strides = array<i32>} : memref<256x16xf32, #tpu.memory_space<vmem>>, vector<16xf32>,
    %swap3A_754 = arith.constant 187 : i32
    %swap3A_755 = arith.index_cast %swap3A_754 : i32 to index
    %swap3A_756 = arith.constant 0 : index
    %swap3A_757 = tpu.vector_load %arg5[%swap3A_755, %swap3A_756] {strides = array<i32>} : memref<256x16xf32, #tpu.memory_space<vmem>>, vector<16xf32>,
    tpu.vector_store %arg5[%swap3A_755, %swap3A_756], %broadcast_in_dim3A_4 {strides = array<i32>} : memref<256x16xf32, #tpu.memory_space<vmem>>, vector<16xf32>,
    %swap3A_758 = arith.constant 188 : i32
    %swap3A_759 = arith.index_cast %swap3A_758 : i32 to index
    %swap3A_760 = arith.constant 0 : index
    %swap3A_761 = tpu.vector_load %arg5[%swap3A_759, %swap3A_760] {strides = array<i32>} : memref<256x16xf32, #tpu.memory_space<vmem>>, vector<16xf32>,
    tpu.vector_store %arg5[%swap3A_759, %swap3A_760], %broadcast_in_dim3A_4 {strides = array<i32>} : memref<256x16xf32, #tpu.memory_space<vmem>>, vector<16xf32>,
    %swap3A_762 = arith.constant 189 : i32
    %swap3A_763 = arith.index_cast %swap3A_762 : i32 to index
    %swap3A_764 = arith.constant 0 : index
    %swap3A_765 = tpu.vector_load %arg5[%swap3A_763, %swap3A_764] {strides = array<i32>} : memref<256x16xf32, #tpu.memory_space<vmem>>, vector<16xf32>,
    tpu.vector_store %arg5[%swap3A_763, %swap3A_764], %broadcast_in_dim3A_4 {strides = array<i32>} : memref<256x16xf32, #tpu.memory_space<vmem>>, vector<16xf32>,
    %swap3A_766 = arith.constant 190 : i32
    %swap3A_767 = arith.index_cast %swap3A_766 : i32 to index
    %swap3A_768 = arith.constant 0 : index
    %swap3A_769 = tpu.vector_load %arg5[%swap3A_767, %swap3A_768] {strides = array<i32>} : memref<256x16xf32, #tpu.memory_space<vmem>>, vector<16xf32>,
    tpu.vector_store %arg5[%swap3A_767, %swap3A_768], %broadcast_in_dim3A_4 {strides = array<i32>} : memref<256x16xf32, #tpu.memory_space<vmem>>, vector<16xf32>,
    %swap3A_770 = arith.constant 191 : i32
    %swap3A_771 = arith.index_cast %swap3A_770 : i32 to index
    %swap3A_772 = arith.constant 0 : index
    %swap3A_773 = tpu.vector_load %arg5[%swap3A_771, %swap3A_772] {strides = array<i32>} : memref<256x16xf32, #tpu.memory_space<vmem>>, vector<16xf32>,
    tpu.vector_store %arg5[%swap3A_771, %swap3A_772], %broadcast_in_dim3A_4 {strides = array<i32>} : memref<256x16xf32, #tpu.memory_space<vmem>>, vector<16xf32>,
    %swap3A_774 = arith.constant 192 : i32
    %swap3A_775 = arith.index_cast %swap3A_774 : i32 to index
    %swap3A_776 = arith.constant 0 : index
    %swap3A_777 = tpu.vector_load %arg5[%swap3A_775, %swap3A_776] {strides = array<i32>} : memref<256x16xf32, #tpu.memory_space<vmem>>, vector<16xf32>,
    tpu.vector_store %arg5[%swap3A_775, %swap3A_776], %broadcast_in_dim3A_4 {strides = array<i32>} : memref<256x16xf32, #tpu.memory_space<vmem>>, vector<16xf32>,
    %swap3A_778 = arith.constant 193 : i32
    %swap3A_779 = arith.index_cast %swap3A_778 : i32 to index
    %swap3A_780 = arith.constant 0 : index
    %swap3A_781 = tpu.vector_load %arg5[%swap3A_779, %swap3A_780] {strides = array<i32>} : memref<256x16xf32, #tpu.memory_space<vmem>>, vector<16xf32>,
    tpu.vector_store %arg5[%swap3A_779, %swap3A_780], %broadcast_in_dim3A_4 {strides = array<i32>} : memref<256x16xf32, #tpu.memory_space<vmem>>, vector<16xf32>,
    %swap3A_782 = arith.constant 194 : i32
    %swap3A_783 = arith.index_cast %swap3A_782 : i32 to index
    %swap3A_784 = arith.constant 0 : index
    %swap3A_785 = tpu.vector_load %arg5[%swap3A_783, %swap3A_784] {strides = array<i32>} : memref<256x16xf32, #tpu.memory_space<vmem>>, vector<16xf32>,
    tpu.vector_store %arg5[%swap3A_783, %swap3A_784], %broadcast_in_dim3A_4 {strides = array<i32>} : memref<256x16xf32, #tpu.memory_space<vmem>>, vector<16xf32>,
    %swap3A_786 = arith.constant 195 : i32
    %swap3A_787 = arith.index_cast %swap3A_786 : i32 to index
    %swap3A_788 = arith.constant 0 : index
    %swap3A_789 = tpu.vector_load %arg5[%swap3A_787, %swap3A_788] {strides = array<i32>} : memref<256x16xf32, #tpu.memory_space<vmem>>, vector<16xf32>,
    tpu.vector_store %arg5[%swap3A_787, %swap3A_788], %broadcast_in_dim3A_4 {strides = array<i32>} : memref<256x16xf32, #tpu.memory_space<vmem>>, vector<16xf32>,
    %swap3A_790 = arith.constant 196 : i32
    %swap3A_791 = arith.index_cast %swap3A_790 : i32 to index
    %swap3A_792 = arith.constant 0 : index
    %swap3A_793 = tpu.vector_load %arg5[%swap3A_791, %swap3A_792] {strides = array<i32>} : memref<256x16xf32, #tpu.memory_space<vmem>>, vector<16xf32>,
    tpu.vector_store %arg5[%swap3A_791, %swap3A_792], %broadcast_in_dim3A_4 {strides = array<i32>} : memref<256x16xf32, #tpu.memory_space<vmem>>, vector<16xf32>,
    %swap3A_794 = arith.constant 197 : i32
    %swap3A_795 = arith.index_cast %swap3A_794 : i32 to index
    %swap3A_796 = arith.constant 0 : index
    %swap3A_797 = tpu.vector_load %arg5[%swap3A_795, %swap3A_796] {strides = array<i32>} : memref<256x16xf32, #tpu.memory_space<vmem>>, vector<16xf32>,
    tpu.vector_store %arg5[%swap3A_795, %swap3A_796], %broadcast_in_dim3A_4 {strides = array<i32>} : memref<256x16xf32, #tpu.memory_space<vmem>>, vector<16xf32>,
    %swap3A_798 = arith.constant 198 : i32
    %swap3A_799 = arith.index_cast %swap3A_798 : i32 to index
    %swap3A_800 = arith.constant 0 : index
    %swap3A_801 = tpu.vector_load %arg5[%swap3A_799, %swap3A_800] {strides = array<i32>} : memref<256x16xf32, #tpu.memory_space<vmem>>, vector<16xf32>,
    tpu.vector_store %arg5[%swap3A_799, %swap3A_800], %broadcast_in_dim3A_4 {strides = array<i32>} : memref<256x16xf32, #tpu.memory_space<vmem>>, vector<16xf32>,
    %swap3A_802 = arith.constant 199 : i32
    %swap3A_803 = arith.index_cast %swap3A_802 : i32 to index
    %swap3A_804 = arith.constant 0 : index
    %swap3A_805 = tpu.vector_load %arg5[%swap3A_803, %swap3A_804] {strides = array<i32>} : memref<256x16xf32, #tpu.memory_space<vmem>>, vector<16xf32>,
    tpu.vector_store %arg5[%swap3A_803, %swap3A_804], %broadcast_in_dim3A_4 {strides = array<i32>} : memref<256x16xf32, #tpu.memory_space<vmem>>, vector<16xf32>,
    %swap3A_806 = arith.constant 200 : i32
    %swap3A_807 = arith.index_cast %swap3A_806 : i32 to index
    %swap3A_808 = arith.constant 0 : index
    %swap3A_809 = tpu.vector_load %arg5[%swap3A_807, %swap3A_808] {strides = array<i32>} : memref<256x16xf32, #tpu.memory_space<vmem>>, vector<16xf32>,
    tpu.vector_store %arg5[%swap3A_807, %swap3A_808], %broadcast_in_dim3A_4 {strides = array<i32>} : memref<256x16xf32, #tpu.memory_space<vmem>>, vector<16xf32>,
    %swap3A_810 = arith.constant 201 : i32
    %swap3A_811 = arith.index_cast %swap3A_810 : i32 to index
    %swap3A_812 = arith.constant 0 : index
    %swap3A_813 = tpu.vector_load %arg5[%swap3A_811, %swap3A_812] {strides = array<i32>} : memref<256x16xf32, #tpu.memory_space<vmem>>, vector<16xf32>,
    tpu.vector_store %arg5[%swap3A_811, %swap3A_812], %broadcast_in_dim3A_4 {strides = array<i32>} : memref<256x16xf32, #tpu.memory_space<vmem>>, vector<16xf32>,
    %swap3A_814 = arith.constant 202 : i32
    %swap3A_815 = arith.index_cast %swap3A_814 : i32 to index
    %swap3A_816 = arith.constant 0 : index
    %swap3A_817 = tpu.vector_load %arg5[%swap3A_815, %swap3A_816] {strides = array<i32>} : memref<256x16xf32, #tpu.memory_space<vmem>>, vector<16xf32>,
    tpu.vector_store %arg5[%swap3A_815, %swap3A_816], %broadcast_in_dim3A_4 {strides = array<i32>} : memref<256x16xf32, #tpu.memory_space<vmem>>, vector<16xf32>,
    %swap3A_818 = arith.constant 203 : i32
    %swap3A_819 = arith.index_cast %swap3A_818 : i32 to index
    %swap3A_820 = arith.constant 0 : index
    %swap3A_821 = tpu.vector_load %arg5[%swap3A_819, %swap3A_820] {strides = array<i32>} : memref<256x16xf32, #tpu.memory_space<vmem>>, vector<16xf32>,
    tpu.vector_store %arg5[%swap3A_819, %swap3A_820], %broadcast_in_dim3A_4 {strides = array<i32>} : memref<256x16xf32, #tpu.memory_space<vmem>>, vector<16xf32>,
    %swap3A_822 = arith.constant 204 : i32
    %swap3A_823 = arith.index_cast %swap3A_822 : i32 to index
    %swap3A_824 = arith.constant 0 : index
    %swap3A_825 = tpu.vector_load %arg5[%swap3A_823, %swap3A_824] {strides = array<i32>} : memref<256x16xf32, #tpu.memory_space<vmem>>, vector<16xf32>,
    tpu.vector_store %arg5[%swap3A_823, %swap3A_824], %broadcast_in_dim3A_4 {strides = array<i32>} : memref<256x16xf32, #tpu.memory_space<vmem>>, vector<16xf32>,
    %swap3A_826 = arith.constant 205 : i32
    %swap3A_827 = arith.index_cast %swap3A_826 : i32 to index
    %swap3A_828 = arith.constant 0 : index
    %swap3A_829 = tpu.vector_load %arg5[%swap3A_827, %swap3A_828] {strides = array<i32>} : memref<256x16xf32, #tpu.memory_space<vmem>>, vector<16xf32>,
    tpu.vector_store %arg5[%swap3A_827, %swap3A_828], %broadcast_in_dim3A_4 {strides = array<i32>} : memref<256x16xf32, #tpu.memory_space<vmem>>, vector<16xf32>,
    %swap3A_830 = arith.constant 206 : i32
    %swap3A_831 = arith.index_cast %swap3A_830 : i32 to index
    %swap3A_832 = arith.constant 0 : index
    %swap3A_833 = tpu.vector_load %arg5[%swap3A_831, %swap3A_832] {strides = array<i32>} : memref<256x16xf32, #tpu.memory_space<vmem>>, vector<16xf32>,
    tpu.vector_store %arg5[%swap3A_831, %swap3A_832], %broadcast_in_dim3A_4 {strides = array<i32>} : memref<256x16xf32, #tpu.memory_space<vmem>>, vector<16xf32>,
    %swap3A_834 = arith.constant 207 : i32
    %swap3A_835 = arith.index_cast %swap3A_834 : i32 to index
    %swap3A_836 = arith.constant 0 : index
    %swap3A_837 = tpu.vector_load %arg5[%swap3A_835, %swap3A_836] {strides = array<i32>} : memref<256x16xf32, #tpu.memory_space<vmem>>, vector<16xf32>,
    tpu.vector_store %arg5[%swap3A_835, %swap3A_836], %broadcast_in_dim3A_4 {strides = array<i32>} : memref<256x16xf32, #tpu.memory_space<vmem>>, vector<16xf32>,
    %swap3A_838 = arith.constant 208 : i32
    %swap3A_839 = arith.index_cast %swap3A_838 : i32 to index
    %swap3A_840 = arith.constant 0 : index
    %swap3A_841 = tpu.vector_load %arg5[%swap3A_839, %swap3A_840] {strides = array<i32>} : memref<256x16xf32, #tpu.memory_space<vmem>>, vector<16xf32>,
    tpu.vector_store %arg5[%swap3A_839, %swap3A_840], %broadcast_in_dim3A_4 {strides = array<i32>} : memref<256x16xf32, #tpu.memory_space<vmem>>, vector<16xf32>,
    %swap3A_842 = arith.constant 209 : i32
    %swap3A_843 = arith.index_cast %swap3A_842 : i32 to index
    %swap3A_844 = arith.constant 0 : index
    %swap3A_845 = tpu.vector_load %arg5[%swap3A_843, %swap3A_844] {strides = array<i32>} : memref<256x16xf32, #tpu.memory_space<vmem>>, vector<16xf32>,
    tpu.vector_store %arg5[%swap3A_843, %swap3A_844], %broadcast_in_dim3A_4 {strides = array<i32>} : memref<256x16xf32, #tpu.memory_space<vmem>>, vector<16xf32>,
    %swap3A_846 = arith.constant 210 : i32
    %swap3A_847 = arith.index_cast %swap3A_846 : i32 to index
    %swap3A_848 = arith.constant 0 : index
    %swap3A_849 = tpu.vector_load %arg5[%swap3A_847, %swap3A_848] {strides = array<i32>} : memref<256x16xf32, #tpu.memory_space<vmem>>, vector<16xf32>,
    tpu.vector_store %arg5[%swap3A_847, %swap3A_848], %broadcast_in_dim3A_4 {strides = array<i32>} : memref<256x16xf32, #tpu.memory_space<vmem>>, vector<16xf32>,
    %swap3A_850 = arith.constant 211 : i32
    %swap3A_851 = arith.index_cast %swap3A_850 : i32 to index
    %swap3A_852 = arith.constant 0 : index
    %swap3A_853 = tpu.vector_load %arg5[%swap3A_851, %swap3A_852] {strides = array<i32>} : memref<256x16xf32, #tpu.memory_space<vmem>>, vector<16xf32>,
    tpu.vector_store %arg5[%swap3A_851, %swap3A_852], %broadcast_in_dim3A_4 {strides = array<i32>} : memref<256x16xf32, #tpu.memory_space<vmem>>, vector<16xf32>,
    %swap3A_854 = arith.constant 212 : i32
    %swap3A_855 = arith.index_cast %swap3A_854 : i32 to index
    %swap3A_856 = arith.constant 0 : index
    %swap3A_857 = tpu.vector_load %arg5[%swap3A_855, %swap3A_856] {strides = array<i32>} : memref<256x16xf32, #tpu.memory_space<vmem>>, vector<16xf32>,
    tpu.vector_store %arg5[%swap3A_855, %swap3A_856], %broadcast_in_dim3A_4 {strides = array<i32>} : memref<256x16xf32, #tpu.memory_space<vmem>>, vector<16xf32>,
    %swap3A_858 = arith.constant 213 : i32
    %swap3A_859 = arith.index_cast %swap3A_858 : i32 to index
    %swap3A_860 = arith.constant 0 : index
    %swap3A_861 = tpu.vector_load %arg5[%swap3A_859, %swap3A_860] {strides = array<i32>} : memref<256x16xf32, #tpu.memory_space<vmem>>, vector<16xf32>,
    tpu.vector_store %arg5[%swap3A_859, %swap3A_860], %broadcast_in_dim3A_4 {strides = array<i32>} : memref<256x16xf32, #tpu.memory_space<vmem>>, vector<16xf32>,
    %swap3A_862 = arith.constant 214 : i32
    %swap3A_863 = arith.index_cast %swap3A_862 : i32 to index
    %swap3A_864 = arith.constant 0 : index
    %swap3A_865 = tpu.vector_load %arg5[%swap3A_863, %swap3A_864] {strides = array<i32>} : memref<256x16xf32, #tpu.memory_space<vmem>>, vector<16xf32>,
    tpu.vector_store %arg5[%swap3A_863, %swap3A_864], %broadcast_in_dim3A_4 {strides = array<i32>} : memref<256x16xf32, #tpu.memory_space<vmem>>, vector<16xf32>,
    %swap3A_866 = arith.constant 215 : i32
    %swap3A_867 = arith.index_cast %swap3A_866 : i32 to index
    %swap3A_868 = arith.constant 0 : index
    %swap3A_869 = tpu.vector_load %arg5[%swap3A_867, %swap3A_868] {strides = array<i32>} : memref<256x16xf32, #tpu.memory_space<vmem>>, vector<16xf32>,
    tpu.vector_store %arg5[%swap3A_867, %swap3A_868], %broadcast_in_dim3A_4 {strides = array<i32>} : memref<256x16xf32, #tpu.memory_space<vmem>>, vector<16xf32>,
    %swap3A_870 = arith.constant 216 : i32
    %swap3A_871 = arith.index_cast %swap3A_870 : i32 to index
    %swap3A_872 = arith.constant 0 : index
    %swap3A_873 = tpu.vector_load %arg5[%swap3A_871, %swap3A_872] {strides = array<i32>} : memref<256x16xf32, #tpu.memory_space<vmem>>, vector<16xf32>,
    tpu.vector_store %arg5[%swap3A_871, %swap3A_872], %broadcast_in_dim3A_4 {strides = array<i32>} : memref<256x16xf32, #tpu.memory_space<vmem>>, vector<16xf32>,
    %swap3A_874 = arith.constant 217 : i32
    %swap3A_875 = arith.index_cast %swap3A_874 : i32 to index
    %swap3A_876 = arith.constant 0 : index
    %swap3A_877 = tpu.vector_load %arg5[%swap3A_875, %swap3A_876] {strides = array<i32>} : memref<256x16xf32, #tpu.memory_space<vmem>>, vector<16xf32>,
    tpu.vector_store %arg5[%swap3A_875, %swap3A_876], %broadcast_in_dim3A_4 {strides = array<i32>} : memref<256x16xf32, #tpu.memory_space<vmem>>, vector<16xf32>,
    %swap3A_878 = arith.constant 218 : i32
    %swap3A_879 = arith.index_cast %swap3A_878 : i32 to index
    %swap3A_880 = arith.constant 0 : index
    %swap3A_881 = tpu.vector_load %arg5[%swap3A_879, %swap3A_880] {strides = array<i32>} : memref<256x16xf32, #tpu.memory_space<vmem>>, vector<16xf32>,
    tpu.vector_store %arg5[%swap3A_879, %swap3A_880], %broadcast_in_dim3A_4 {strides = array<i32>} : memref<256x16xf32, #tpu.memory_space<vmem>>, vector<16xf32>,
    %swap3A_882 = arith.constant 219 : i32
    %swap3A_883 = arith.index_cast %swap3A_882 : i32 to index
    %swap3A_884 = arith.constant 0 : index
    %swap3A_885 = tpu.vector_load %arg5[%swap3A_883, %swap3A_884] {strides = array<i32>} : memref<256x16xf32, #tpu.memory_space<vmem>>, vector<16xf32>,
    tpu.vector_store %arg5[%swap3A_883, %swap3A_884], %broadcast_in_dim3A_4 {strides = array<i32>} : memref<256x16xf32, #tpu.memory_space<vmem>>, vector<16xf32>,
    %swap3A_886 = arith.constant 220 : i32
    %swap3A_887 = arith.index_cast %swap3A_886 : i32 to index
    %swap3A_888 = arith.constant 0 : index
    %swap3A_889 = tpu.vector_load %arg5[%swap3A_887, %swap3A_888] {strides = array<i32>} : memref<256x16xf32, #tpu.memory_space<vmem>>, vector<16xf32>,
    tpu.vector_store %arg5[%swap3A_887, %swap3A_888], %broadcast_in_dim3A_4 {strides = array<i32>} : memref<256x16xf32, #tpu.memory_space<vmem>>, vector<16xf32>,
    %swap3A_890 = arith.constant 221 : i32
    %swap3A_891 = arith.index_cast %swap3A_890 : i32 to index
    %swap3A_892 = arith.constant 0 : index
    %swap3A_893 = tpu.vector_load %arg5[%swap3A_891, %swap3A_892] {strides = array<i32>} : memref<256x16xf32, #tpu.memory_space<vmem>>, vector<16xf32>,
    tpu.vector_store %arg5[%swap3A_891, %swap3A_892], %broadcast_in_dim3A_4 {strides = array<i32>} : memref<256x16xf32, #tpu.memory_space<vmem>>, vector<16xf32>,
    %swap3A_894 = arith.constant 222 : i32
    %swap3A_895 = arith.index_cast %swap3A_894 : i32 to index
    %swap3A_896 = arith.constant 0 : index
    %swap3A_897 = tpu.vector_load %arg5[%swap3A_895, %swap3A_896] {strides = array<i32>} : memref<256x16xf32, #tpu.memory_space<vmem>>, vector<16xf32>,
    tpu.vector_store %arg5[%swap3A_895, %swap3A_896], %broadcast_in_dim3A_4 {strides = array<i32>} : memref<256x16xf32, #tpu.memory_space<vmem>>, vector<16xf32>,
    %swap3A_898 = arith.constant 223 : i32
    %swap3A_899 = arith.index_cast %swap3A_898 : i32 to index
    %swap3A_900 = arith.constant 0 : index
    %swap3A_901 = tpu.vector_load %arg5[%swap3A_899, %swap3A_900] {strides = array<i32>} : memref<256x16xf32, #tpu.memory_space<vmem>>, vector<16xf32>,
    tpu.vector_store %arg5[%swap3A_899, %swap3A_900], %broadcast_in_dim3A_4 {strides = array<i32>} : memref<256x16xf32, #tpu.memory_space<vmem>>, vector<16xf32>,
    %swap3A_902 = arith.constant 224 : i32
    %swap3A_903 = arith.index_cast %swap3A_902 : i32 to index
    %swap3A_904 = arith.constant 0 : index
    %swap3A_905 = tpu.vector_load %arg5[%swap3A_903, %swap3A_904] {strides = array<i32>} : memref<256x16xf32, #tpu.memory_space<vmem>>, vector<16xf32>,
    tpu.vector_store %arg5[%swap3A_903, %swap3A_904], %broadcast_in_dim3A_4 {strides = array<i32>} : memref<256x16xf32, #tpu.memory_space<vmem>>, vector<16xf32>,
    %swap3A_906 = arith.constant 225 : i32
    %swap3A_907 = arith.index_cast %swap3A_906 : i32 to index
    %swap3A_908 = arith.constant 0 : index
    %swap3A_909 = tpu.vector_load %arg5[%swap3A_907, %swap3A_908] {strides = array<i32>} : memref<256x16xf32, #tpu.memory_space<vmem>>, vector<16xf32>,
    tpu.vector_store %arg5[%swap3A_907, %swap3A_908], %broadcast_in_dim3A_4 {strides = array<i32>} : memref<256x16xf32, #tpu.memory_space<vmem>>, vector<16xf32>,
    %swap3A_910 = arith.constant 226 : i32
    %swap3A_911 = arith.index_cast %swap3A_910 : i32 to index
    %swap3A_912 = arith.constant 0 : index
    %swap3A_913 = tpu.vector_load %arg5[%swap3A_911, %swap3A_912] {strides = array<i32>} : memref<256x16xf32, #tpu.memory_space<vmem>>, vector<16xf32>,
    tpu.vector_store %arg5[%swap3A_911, %swap3A_912], %broadcast_in_dim3A_4 {strides = array<i32>} : memref<256x16xf32, #tpu.memory_space<vmem>>, vector<16xf32>,
    %swap3A_914 = arith.constant 227 : i32
    %swap3A_915 = arith.index_cast %swap3A_914 : i32 to index
    %swap3A_916 = arith.constant 0 : index
    %swap3A_917 = tpu.vector_load %arg5[%swap3A_915, %swap3A_916] {strides = array<i32>} : memref<256x16xf32, #tpu.memory_space<vmem>>, vector<16xf32>,
    tpu.vector_store %arg5[%swap3A_915, %swap3A_916], %broadcast_in_dim3A_4 {strides = array<i32>} : memref<256x16xf32, #tpu.memory_space<vmem>>, vector<16xf32>,
    %swap3A_918 = arith.constant 228 : i32
    %swap3A_919 = arith.index_cast %swap3A_918 : i32 to index
    %swap3A_920 = arith.constant 0 : index
    %swap3A_921 = tpu.vector_load %arg5[%swap3A_919, %swap3A_920] {strides = array<i32>} : memref<256x16xf32, #tpu.memory_space<vmem>>, vector<16xf32>,
    tpu.vector_store %arg5[%swap3A_919, %swap3A_920], %broadcast_in_dim3A_4 {strides = array<i32>} : memref<256x16xf32, #tpu.memory_space<vmem>>, vector<16xf32>,
    %swap3A_922 = arith.constant 229 : i32
    %swap3A_923 = arith.index_cast %swap3A_922 : i32 to index
    %swap3A_924 = arith.constant 0 : index
    %swap3A_925 = tpu.vector_load %arg5[%swap3A_923, %swap3A_924] {strides = array<i32>} : memref<256x16xf32, #tpu.memory_space<vmem>>, vector<16xf32>,
    tpu.vector_store %arg5[%swap3A_923, %swap3A_924], %broadcast_in_dim3A_4 {strides = array<i32>} : memref<256x16xf32, #tpu.memory_space<vmem>>, vector<16xf32>,
    %swap3A_926 = arith.constant 230 : i32
    %swap3A_927 = arith.index_cast %swap3A_926 : i32 to index
    %swap3A_928 = arith.constant 0 : index
    %swap3A_929 = tpu.vector_load %arg5[%swap3A_927, %swap3A_928] {strides = array<i32>} : memref<256x16xf32, #tpu.memory_space<vmem>>, vector<16xf32>,
    tpu.vector_store %arg5[%swap3A_927, %swap3A_928], %broadcast_in_dim3A_4 {strides = array<i32>} : memref<256x16xf32, #tpu.memory_space<vmem>>, vector<16xf32>,
    %swap3A_930 = arith.constant 231 : i32
    %swap3A_931 = arith.index_cast %swap3A_930 : i32 to index
    %swap3A_932 = arith.constant 0 : index
    %swap3A_933 = tpu.vector_load %arg5[%swap3A_931, %swap3A_932] {strides = array<i32>} : memref<256x16xf32, #tpu.memory_space<vmem>>, vector<16xf32>,
    tpu.vector_store %arg5[%swap3A_931, %swap3A_932], %broadcast_in_dim3A_4 {strides = array<i32>} : memref<256x16xf32, #tpu.memory_space<vmem>>, vector<16xf32>,
    %swap3A_934 = arith.constant 232 : i32
    %swap3A_935 = arith.index_cast %swap3A_934 : i32 to index
    %swap3A_936 = arith.constant 0 : index
    %swap3A_937 = tpu.vector_load %arg5[%swap3A_935, %swap3A_936] {strides = array<i32>} : memref<256x16xf32, #tpu.memory_space<vmem>>, vector<16xf32>,
    tpu.vector_store %arg5[%swap3A_935, %swap3A_936], %broadcast_in_dim3A_4 {strides = array<i32>} : memref<256x16xf32, #tpu.memory_space<vmem>>, vector<16xf32>,
    %swap3A_938 = arith.constant 233 : i32
    %swap3A_939 = arith.index_cast %swap3A_938 : i32 to index
    %swap3A_940 = arith.constant 0 : index
    %swap3A_941 = tpu.vector_load %arg5[%swap3A_939, %swap3A_940] {strides = array<i32>} : memref<256x16xf32, #tpu.memory_space<vmem>>, vector<16xf32>,
    tpu.vector_store %arg5[%swap3A_939, %swap3A_940], %broadcast_in_dim3A_4 {strides = array<i32>} : memref<256x16xf32, #tpu.memory_space<vmem>>, vector<16xf32>,
    %swap3A_942 = arith.constant 234 : i32
    %swap3A_943 = arith.index_cast %swap3A_942 : i32 to index
    %swap3A_944 = arith.constant 0 : index
    %swap3A_945 = tpu.vector_load %arg5[%swap3A_943, %swap3A_944] {strides = array<i32>} : memref<256x16xf32, #tpu.memory_space<vmem>>, vector<16xf32>,
    tpu.vector_store %arg5[%swap3A_943, %swap3A_944], %broadcast_in_dim3A_4 {strides = array<i32>} : memref<256x16xf32, #tpu.memory_space<vmem>>, vector<16xf32>,
    %swap3A_946 = arith.constant 235 : i32
    %swap3A_947 = arith.index_cast %swap3A_946 : i32 to index
    %swap3A_948 = arith.constant 0 : index
    %swap3A_949 = tpu.vector_load %arg5[%swap3A_947, %swap3A_948] {strides = array<i32>} : memref<256x16xf32, #tpu.memory_space<vmem>>, vector<16xf32>,
    tpu.vector_store %arg5[%swap3A_947, %swap3A_948], %broadcast_in_dim3A_4 {strides = array<i32>} : memref<256x16xf32, #tpu.memory_space<vmem>>, vector<16xf32>,
    %swap3A_950 = arith.constant 236 : i32
    %swap3A_951 = arith.index_cast %swap3A_950 : i32 to index
    %swap3A_952 = arith.constant 0 : index
    %swap3A_953 = tpu.vector_load %arg5[%swap3A_951, %swap3A_952] {strides = array<i32>} : memref<256x16xf32, #tpu.memory_space<vmem>>, vector<16xf32>,
    tpu.vector_store %arg5[%swap3A_951, %swap3A_952], %broadcast_in_dim3A_4 {strides = array<i32>} : memref<256x16xf32, #tpu.memory_space<vmem>>, vector<16xf32>,
    %swap3A_954 = arith.constant 237 : i32
    %swap3A_955 = arith.index_cast %swap3A_954 : i32 to index
    %swap3A_956 = arith.constant 0 : index
    %swap3A_957 = tpu.vector_load %arg5[%swap3A_955, %swap3A_956] {strides = array<i32>} : memref<256x16xf32, #tpu.memory_space<vmem>>, vector<16xf32>,
    tpu.vector_store %arg5[%swap3A_955, %swap3A_956], %broadcast_in_dim3A_4 {strides = array<i32>} : memref<256x16xf32, #tpu.memory_space<vmem>>, vector<16xf32>,
    %swap3A_958 = arith.constant 238 : i32
    %swap3A_959 = arith.index_cast %swap3A_958 : i32 to index
    %swap3A_960 = arith.constant 0 : index
    %swap3A_961 = tpu.vector_load %arg5[%swap3A_959, %swap3A_960] {strides = array<i32>} : memref<256x16xf32, #tpu.memory_space<vmem>>, vector<16xf32>,
    tpu.vector_store %arg5[%swap3A_959, %swap3A_960], %broadcast_in_dim3A_4 {strides = array<i32>} : memref<256x16xf32, #tpu.memory_space<vmem>>, vector<16xf32>,
    %swap3A_962 = arith.constant 239 : i32
    %swap3A_963 = arith.index_cast %swap3A_962 : i32 to index
    %swap3A_964 = arith.constant 0 : index
    %swap3A_965 = tpu.vector_load %arg5[%swap3A_963, %swap3A_964] {strides = array<i32>} : memref<256x16xf32, #tpu.memory_space<vmem>>, vector<16xf32>,
    tpu.vector_store %arg5[%swap3A_963, %swap3A_964], %broadcast_in_dim3A_4 {strides = array<i32>} : memref<256x16xf32, #tpu.memory_space<vmem>>, vector<16xf32>,
    %swap3A_966 = arith.constant 240 : i32
    %swap3A_967 = arith.index_cast %swap3A_966 : i32 to index
    %swap3A_968 = arith.constant 0 : index
    %swap3A_969 = tpu.vector_load %arg5[%swap3A_967, %swap3A_968] {strides = array<i32>} : memref<256x16xf32, #tpu.memory_space<vmem>>, vector<16xf32>,
    tpu.vector_store %arg5[%swap3A_967, %swap3A_968], %broadcast_in_dim3A_4 {strides = array<i32>} : memref<256x16xf32, #tpu.memory_space<vmem>>, vector<16xf32>,
    %swap3A_970 = arith.constant 241 : i32
    %swap3A_971 = arith.index_cast %swap3A_970 : i32 to index
    %swap3A_972 = arith.constant 0 : index
    %swap3A_973 = tpu.vector_load %arg5[%swap3A_971, %swap3A_972] {strides = array<i32>} : memref<256x16xf32, #tpu.memory_space<vmem>>, vector<16xf32>,
    tpu.vector_store %arg5[%swap3A_971, %swap3A_972], %broadcast_in_dim3A_4 {strides = array<i32>} : memref<256x16xf32, #tpu.memory_space<vmem>>, vector<16xf32>,
    %swap3A_974 = arith.constant 242 : i32
    %swap3A_975 = arith.index_cast %swap3A_974 : i32 to index
    %swap3A_976 = arith.constant 0 : index
    %swap3A_977 = tpu.vector_load %arg5[%swap3A_975, %swap3A_976] {strides = array<i32>} : memref<256x16xf32, #tpu.memory_space<vmem>>, vector<16xf32>,
    tpu.vector_store %arg5[%swap3A_975, %swap3A_976], %broadcast_in_dim3A_4 {strides = array<i32>} : memref<256x16xf32, #tpu.memory_space<vmem>>, vector<16xf32>,
    %swap3A_978 = arith.constant 243 : i32
    %swap3A_979 = arith.index_cast %swap3A_978 : i32 to index
    %swap3A_980 = arith.constant 0 : index
    %swap3A_981 = tpu.vector_load %arg5[%swap3A_979, %swap3A_980] {strides = array<i32>} : memref<256x16xf32, #tpu.memory_space<vmem>>, vector<16xf32>,
    tpu.vector_store %arg5[%swap3A_979, %swap3A_980], %broadcast_in_dim3A_4 {strides = array<i32>} : memref<256x16xf32, #tpu.memory_space<vmem>>, vector<16xf32>,
    %swap3A_982 = arith.constant 244 : i32
    %swap3A_983 = arith.index_cast %swap3A_982 : i32 to index
    %swap3A_984 = arith.constant 0 : index
    %swap3A_985 = tpu.vector_load %arg5[%swap3A_983, %swap3A_984] {strides = array<i32>} : memref<256x16xf32, #tpu.memory_space<vmem>>, vector<16xf32>,
    tpu.vector_store %arg5[%swap3A_983, %swap3A_984], %broadcast_in_dim3A_4 {strides = array<i32>} : memref<256x16xf32, #tpu.memory_space<vmem>>, vector<16xf32>,
    %swap3A_986 = arith.constant 245 : i32
    %swap3A_987 = arith.index_cast %swap3A_986 : i32 to index
    %swap3A_988 = arith.constant 0 : index
    %swap3A_989 = tpu.vector_load %arg5[%swap3A_987, %swap3A_988] {strides = array<i32>} : memref<256x16xf32, #tpu.memory_space<vmem>>, vector<16xf32>,
    tpu.vector_store %arg5[%swap3A_987, %swap3A_988], %broadcast_in_dim3A_4 {strides = array<i32>} : memref<256x16xf32, #tpu.memory_space<vmem>>, vector<16xf32>,
    %swap3A_990 = arith.constant 246 : i32
    %swap3A_991 = arith.index_cast %swap3A_990 : i32 to index
    %swap3A_992 = arith.constant 0 : index
    %swap3A_993 = tpu.vector_load %arg5[%swap3A_991, %swap3A_992] {strides = array<i32>} : memref<256x16xf32, #tpu.memory_space<vmem>>, vector<16xf32>,
    tpu.vector_store %arg5[%swap3A_991, %swap3A_992], %broadcast_in_dim3A_4 {strides = array<i32>} : memref<256x16xf32, #tpu.memory_space<vmem>>, vector<16xf32>,
    %swap3A_994 = arith.constant 247 : i32
    %swap3A_995 = arith.index_cast %swap3A_994 : i32 to index
    %swap3A_996 = arith.constant 0 : index
    %swap3A_997 = tpu.vector_load %arg5[%swap3A_995, %swap3A_996] {strides = array<i32>} : memref<256x16xf32, #tpu.memory_space<vmem>>, vector<16xf32>,
    tpu.vector_store %arg5[%swap3A_995, %swap3A_996], %broadcast_in_dim3A_4 {strides = array<i32>} : memref<256x16xf32, #tpu.memory_space<vmem>>, vector<16xf32>,
    %swap3A_998 = arith.constant 248 : i32
    %swap3A_999 = arith.index_cast %swap3A_998 : i32 to index
    %swap3A_1000 = arith.constant 0 : index
    %swap3A_1001 = tpu.vector_load %arg5[%swap3A_999, %swap3A_1000] {strides = array<i32>} : memref<256x16xf32, #tpu.memory_space<vmem>>, vector<16xf32>,
    tpu.vector_store %arg5[%swap3A_999, %swap3A_1000], %broadcast_in_dim3A_4 {strides = array<i32>} : memref<256x16xf32, #tpu.memory_space<vmem>>, vector<16xf32>,
    %swap3A_1002 = arith.constant 249 : i32
    %swap3A_1003 = arith.index_cast %swap3A_1002 : i32 to index
    %swap3A_1004 = arith.constant 0 : index
    %swap3A_1005 = tpu.vector_load %arg5[%swap3A_1003, %swap3A_1004] {strides = array<i32>} : memref<256x16xf32, #tpu.memory_space<vmem>>, vector<16xf32>,
    tpu.vector_store %arg5[%swap3A_1003, %swap3A_1004], %broadcast_in_dim3A_4 {strides = array<i32>} : memref<256x16xf32, #tpu.memory_space<vmem>>, vector<16xf32>,
    %swap3A_1006 = arith.constant 250 : i32
    %swap3A_1007 = arith.index_cast %swap3A_1006 : i32 to index
    %swap3A_1008 = arith.constant 0 : index
    %swap3A_1009 = tpu.vector_load %arg5[%swap3A_1007, %swap3A_1008] {strides = array<i32>} : memref<256x16xf32, #tpu.memory_space<vmem>>, vector<16xf32>,
    tpu.vector_store %arg5[%swap3A_1007, %swap3A_1008], %broadcast_in_dim3A_4 {strides = array<i32>} : memref<256x16xf32, #tpu.memory_space<vmem>>, vector<16xf32>,
    %swap3A_1010 = arith.constant 251 : i32
    %swap3A_1011 = arith.index_cast %swap3A_1010 : i32 to index
    %swap3A_1012 = arith.constant 0 : index
    %swap3A_1013 = tpu.vector_load %arg5[%swap3A_1011, %swap3A_1012] {strides = array<i32>} : memref<256x16xf32, #tpu.memory_space<vmem>>, vector<16xf32>,
    tpu.vector_store %arg5[%swap3A_1011, %swap3A_1012], %broadcast_in_dim3A_4 {strides = array<i32>} : memref<256x16xf32, #tpu.memory_space<vmem>>, vector<16xf32>,
    %swap3A_1014 = arith.constant 252 : i32
    %swap3A_1015 = arith.index_cast %swap3A_1014 : i32 to index
    %swap3A_1016 = arith.constant 0 : index
    %swap3A_1017 = tpu.vector_load %arg5[%swap3A_1015, %swap3A_1016] {strides = array<i32>} : memref<256x16xf32, #tpu.memory_space<vmem>>, vector<16xf32>,
    tpu.vector_store %arg5[%swap3A_1015, %swap3A_1016], %broadcast_in_dim3A_4 {strides = array<i32>} : memref<256x16xf32, #tpu.memory_space<vmem>>, vector<16xf32>,
    %swap3A_1018 = arith.constant 253 : i32
    %swap3A_1019 = arith.index_cast %swap3A_1018 : i32 to index
    %swap3A_1020 = arith.constant 0 : index
    %swap3A_1021 = tpu.vector_load %arg5[%swap3A_1019, %swap3A_1020] {strides = array<i32>} : memref<256x16xf32, #tpu.memory_space<vmem>>, vector<16xf32>,
    tpu.vector_store %arg5[%swap3A_1019, %swap3A_1020], %broadcast_in_dim3A_4 {strides = array<i32>} : memref<256x16xf32, #tpu.memory_space<vmem>>, vector<16xf32>,
    %swap3A_1022 = arith.constant 254 : i32
    %swap3A_1023 = arith.index_cast %swap3A_1022 : i32 to index
    %swap3A_1024 = arith.constant 0 : index
    %swap3A_1025 = tpu.vector_load %arg5[%swap3A_1023, %swap3A_1024] {strides = array<i32>} : memref<256x16xf32, #tpu.memory_space<vmem>>, vector<16xf32>,
    tpu.vector_store %arg5[%swap3A_1023, %swap3A_1024], %broadcast_in_dim3A_4 {strides = array<i32>} : memref<256x16xf32, #tpu.memory_space<vmem>>, vector<16xf32>,
    %swap3A_1026 = arith.constant 255 : i32
    %swap3A_1027 = arith.index_cast %swap3A_1026 : i32 to index
    %swap3A_1028 = arith.constant 0 : index
    %swap3A_1029 = tpu.vector_load %arg5[%swap3A_1027, %swap3A_1028] {strides = array<i32>} : memref<256x16xf32, #tpu.memory_space<vmem>>, vector<16xf32>,
    tpu.vector_store %arg5[%swap3A_1027, %swap3A_1028], %broadcast_in_dim3A_4 {strides = array<i32>} : memref<256x16xf32, #tpu.memory_space<vmem>>, vector<16xf32>,
    %dma_wait3A = tpu.memref_slice %arg2[%mul3A_2] : memref<8192xi32, #tpu.memory_space<hbm>> -> memref<256xi32, #tpu.memory_space<hbm>>
    %dma_wait3A_1030 = tpu.memref_slice %arg2[%mul3A_2] : memref<8192xi32, #tpu.memory_space<hbm>> -> memref<256xi32, #tpu.memory_space<hbm>>
    tpu.wait_dma2 semaphore(%arg6 : memref<!tpu.dma_semaphore, #tpu.memory_space<semaphore_mem>>) src(%dma_wait3A_1030 : memref<256xi32, #tpu.memory_space<hbm>>) dst(%arg4 : memref<256xi32, #tpu.memory_space<vmem>>)
    %get3A = arith.constant 0 : index
    %get3A_1031 = tpu.vector_load %arg4[%get3A] {strides = array<i32>} : memref<256xi32, #tpu.memory_space<vmem>>, vector<16xi32>,
    %add3A_1032 = arith.constant 0 : i32
    %add3A_1033 = vector.broadcast %add3A_1032 : i32 to vector<16xi32>
    %add3A_1034 = arith.addi %add3A_1033, %iota3A : vector<16xi32>
    tpu.vector_store_idx %arg5[%add3A_1034, %get3A_1031], %broadcast_in_dim3A_6 : memref<256x16xf32, #tpu.memory_space<vmem>>[vector<16xi32>, vector<16xi32>], vector<16xf32>,
    %get3A_1035 = arith.constant 16 : index
    %get3A_1036 = tpu.vector_load %arg4[%get3A_1035] {strides = array<i32>} : memref<256xi32, #tpu.memory_space<vmem>>, vector<16xi32>,
    %add3A_1037 = arith.constant 16 : i32
    %add3A_1038 = vector.broadcast %add3A_1037 : i32 to vector<16xi32>
    %add3A_1039 = arith.addi %add3A_1038, %iota3A : vector<16xi32>
    tpu.vector_store_idx %arg5[%add3A_1039, %get3A_1036], %broadcast_in_dim3A_6 : memref<256x16xf32, #tpu.memory_space<vmem>>[vector<16xi32>, vector<16xi32>], vector<16xf32>,
    %get3A_1040 = arith.constant 32 : index
    %get3A_1041 = tpu.vector_load %arg4[%get3A_1040] {strides = array<i32>} : memref<256xi32, #tpu.memory_space<vmem>>, vector<16xi32>,
    %add3A_1042 = arith.constant 32 : i32
    %add3A_1043 = vector.broadcast %add3A_1042 : i32 to vector<16xi32>
    %add3A_1044 = arith.addi %add3A_1043, %iota3A : vector<16xi32>
    tpu.vector_store_idx %arg5[%add3A_1044, %get3A_1041], %broadcast_in_dim3A_6 : memref<256x16xf32, #tpu.memory_space<vmem>>[vector<16xi32>, vector<16xi32>], vector<16xf32>,
    %get3A_1045 = arith.constant 48 : index
    %get3A_1046 = tpu.vector_load %arg4[%get3A_1045] {strides = array<i32>} : memref<256xi32, #tpu.memory_space<vmem>>, vector<16xi32>,
    %add3A_1047 = arith.constant 48 : i32
    %add3A_1048 = vector.broadcast %add3A_1047 : i32 to vector<16xi32>
    %add3A_1049 = arith.addi %add3A_1048, %iota3A : vector<16xi32>
    tpu.vector_store_idx %arg5[%add3A_1049, %get3A_1046], %broadcast_in_dim3A_6 : memref<256x16xf32, #tpu.memory_space<vmem>>[vector<16xi32>, vector<16xi32>], vector<16xf32>,
    %get3A_1050 = arith.constant 64 : index
    %get3A_1051 = tpu.vector_load %arg4[%get3A_1050] {strides = array<i32>} : memref<256xi32, #tpu.memory_space<vmem>>, vector<16xi32>,
    %add3A_1052 = arith.constant 64 : i32
    %add3A_1053 = vector.broadcast %add3A_1052 : i32 to vector<16xi32>
    %add3A_1054 = arith.addi %add3A_1053, %iota3A : vector<16xi32>
    tpu.vector_store_idx %arg5[%add3A_1054, %get3A_1051], %broadcast_in_dim3A_6 : memref<256x16xf32, #tpu.memory_space<vmem>>[vector<16xi32>, vector<16xi32>], vector<16xf32>,
    %get3A_1055 = arith.constant 80 : index
    %get3A_1056 = tpu.vector_load %arg4[%get3A_1055] {strides = array<i32>} : memref<256xi32, #tpu.memory_space<vmem>>, vector<16xi32>,
    %add3A_1057 = arith.constant 80 : i32
    %add3A_1058 = vector.broadcast %add3A_1057 : i32 to vector<16xi32>
    %add3A_1059 = arith.addi %add3A_1058, %iota3A : vector<16xi32>
    tpu.vector_store_idx %arg5[%add3A_1059, %get3A_1056], %broadcast_in_dim3A_6 : memref<256x16xf32, #tpu.memory_space<vmem>>[vector<16xi32>, vector<16xi32>], vector<16xf32>,
    %get3A_1060 = arith.constant 96 : index
    %get3A_1061 = tpu.vector_load %arg4[%get3A_1060] {strides = array<i32>} : memref<256xi32, #tpu.memory_space<vmem>>, vector<16xi32>,
    %add3A_1062 = arith.constant 96 : i32
    %add3A_1063 = vector.broadcast %add3A_1062 : i32 to vector<16xi32>
    %add3A_1064 = arith.addi %add3A_1063, %iota3A : vector<16xi32>
    tpu.vector_store_idx %arg5[%add3A_1064, %get3A_1061], %broadcast_in_dim3A_6 : memref<256x16xf32, #tpu.memory_space<vmem>>[vector<16xi32>, vector<16xi32>], vector<16xf32>,
    %get3A_1065 = arith.constant 112 : index
    %get3A_1066 = tpu.vector_load %arg4[%get3A_1065] {strides = array<i32>} : memref<256xi32, #tpu.memory_space<vmem>>, vector<16xi32>,
    %add3A_1067 = arith.constant 112 : i32
    %add3A_1068 = vector.broadcast %add3A_1067 : i32 to vector<16xi32>
    %add3A_1069 = arith.addi %add3A_1068, %iota3A : vector<16xi32>
    tpu.vector_store_idx %arg5[%add3A_1069, %get3A_1066], %broadcast_in_dim3A_6 : memref<256x16xf32, #tpu.memory_space<vmem>>[vector<16xi32>, vector<16xi32>], vector<16xf32>,
    %get3A_1070 = arith.constant 128 : index
    %get3A_1071 = tpu.vector_load %arg4[%get3A_1070] {strides = array<i32>} : memref<256xi32, #tpu.memory_space<vmem>>, vector<16xi32>,
    %add3A_1072 = arith.constant 128 : i32
    %add3A_1073 = vector.broadcast %add3A_1072 : i32 to vector<16xi32>
    %add3A_1074 = arith.addi %add3A_1073, %iota3A : vector<16xi32>
    tpu.vector_store_idx %arg5[%add3A_1074, %get3A_1071], %broadcast_in_dim3A_6 : memref<256x16xf32, #tpu.memory_space<vmem>>[vector<16xi32>, vector<16xi32>], vector<16xf32>,
    %get3A_1075 = arith.constant 144 : index
    %get3A_1076 = tpu.vector_load %arg4[%get3A_1075] {strides = array<i32>} : memref<256xi32, #tpu.memory_space<vmem>>, vector<16xi32>,
    %add3A_1077 = arith.constant 144 : i32
    %add3A_1078 = vector.broadcast %add3A_1077 : i32 to vector<16xi32>
    %add3A_1079 = arith.addi %add3A_1078, %iota3A : vector<16xi32>
    tpu.vector_store_idx %arg5[%add3A_1079, %get3A_1076], %broadcast_in_dim3A_6 : memref<256x16xf32, #tpu.memory_space<vmem>>[vector<16xi32>, vector<16xi32>], vector<16xf32>,
    %get3A_1080 = arith.constant 160 : index
    %get3A_1081 = tpu.vector_load %arg4[%get3A_1080] {strides = array<i32>} : memref<256xi32, #tpu.memory_space<vmem>>, vector<16xi32>,
    %add3A_1082 = arith.constant 160 : i32
    %add3A_1083 = vector.broadcast %add3A_1082 : i32 to vector<16xi32>
    %add3A_1084 = arith.addi %add3A_1083, %iota3A : vector<16xi32>
    tpu.vector_store_idx %arg5[%add3A_1084, %get3A_1081], %broadcast_in_dim3A_6 : memref<256x16xf32, #tpu.memory_space<vmem>>[vector<16xi32>, vector<16xi32>], vector<16xf32>,
    %get3A_1085 = arith.constant 176 : index
    %get3A_1086 = tpu.vector_load %arg4[%get3A_1085] {strides = array<i32>} : memref<256xi32, #tpu.memory_space<vmem>>, vector<16xi32>,
    %add3A_1087 = arith.constant 176 : i32
    %add3A_1088 = vector.broadcast %add3A_1087 : i32 to vector<16xi32>
    %add3A_1089 = arith.addi %add3A_1088, %iota3A : vector<16xi32>
    tpu.vector_store_idx %arg5[%add3A_1089, %get3A_1086], %broadcast_in_dim3A_6 : memref<256x16xf32, #tpu.memory_space<vmem>>[vector<16xi32>, vector<16xi32>], vector<16xf32>,
    %get3A_1090 = arith.constant 192 : index
    %get3A_1091 = tpu.vector_load %arg4[%get3A_1090] {strides = array<i32>} : memref<256xi32, #tpu.memory_space<vmem>>, vector<16xi32>,
    %add3A_1092 = arith.constant 192 : i32
    %add3A_1093 = vector.broadcast %add3A_1092 : i32 to vector<16xi32>
    %add3A_1094 = arith.addi %add3A_1093, %iota3A : vector<16xi32>
    tpu.vector_store_idx %arg5[%add3A_1094, %get3A_1091], %broadcast_in_dim3A_6 : memref<256x16xf32, #tpu.memory_space<vmem>>[vector<16xi32>, vector<16xi32>], vector<16xf32>,
    %get3A_1095 = arith.constant 208 : index
    %get3A_1096 = tpu.vector_load %arg4[%get3A_1095] {strides = array<i32>} : memref<256xi32, #tpu.memory_space<vmem>>, vector<16xi32>,
    %add3A_1097 = arith.constant 208 : i32
    %add3A_1098 = vector.broadcast %add3A_1097 : i32 to vector<16xi32>
    %add3A_1099 = arith.addi %add3A_1098, %iota3A : vector<16xi32>
    tpu.vector_store_idx %arg5[%add3A_1099, %get3A_1096], %broadcast_in_dim3A_6 : memref<256x16xf32, #tpu.memory_space<vmem>>[vector<16xi32>, vector<16xi32>], vector<16xf32>,
    %get3A_1100 = arith.constant 224 : index
    %get3A_1101 = tpu.vector_load %arg4[%get3A_1100] {strides = array<i32>} : memref<256xi32, #tpu.memory_space<vmem>>, vector<16xi32>,
    %add3A_1102 = arith.constant 224 : i32
    %add3A_1103 = vector.broadcast %add3A_1102 : i32 to vector<16xi32>
    %add3A_1104 = arith.addi %add3A_1103, %iota3A : vector<16xi32>
    tpu.vector_store_idx %arg5[%add3A_1104, %get3A_1101], %broadcast_in_dim3A_6 : memref<256x16xf32, #tpu.memory_space<vmem>>[vector<16xi32>, vector<16xi32>], vector<16xf32>,
    %get3A_1105 = arith.constant 240 : index
    %get3A_1106 = tpu.vector_load %arg4[%get3A_1105] {strides = array<i32>} : memref<256xi32, #tpu.memory_space<vmem>>, vector<16xi32>,
    %add3A_1107 = arith.constant 240 : i32
    %add3A_1108 = vector.broadcast %add3A_1107 : i32 to vector<16xi32>
    %add3A_1109 = arith.addi %add3A_1108, %iota3A : vector<16xi32>
    tpu.vector_store_idx %arg5[%add3A_1109, %get3A_1106], %broadcast_in_dim3A_6 : memref<256x16xf32, #tpu.memory_space<vmem>>[vector<16xi32>, vector<16xi32>], vector<16xf32>,
    "tpu.region"() ({
      %run_scoped3A = tpu.sem_alloc : memref<!tpu.dma_semaphore, #tpu.memory_space<semaphore_mem>>
      %dma_start3A_1110 = arith.constant 0 : i32
      %dma_start3A_1111 = tpu.memref_slice %arg3[%mul3A_2, %dma_start3A_1110] : memref<8192x16xf32, #tpu.memory_space<hbm>> -> memref<256x16xf32, #tpu.memory_space<hbm>>
      %dma_start3A_1112 = arith.constant 0 : i32
      %dma_start3A_1113 = tpu.memref_slice %arg3[%mul3A_2, %dma_start3A_1112] : memref<8192x16xf32, #tpu.memory_space<hbm>> -> memref<256x16xf32, #tpu.memory_space<hbm>>
      tpu.enqueue_dma source(%arg5 : memref<256x16xf32, #tpu.memory_space<vmem>>) target(%dma_start3A_1113 : memref<256x16xf32, #tpu.memory_space<hbm>>) target_semaphore(%run_scoped3A : memref<!tpu.dma_semaphore, #tpu.memory_space<semaphore_mem>>)
      %dma_wait3A_1114 = arith.constant 0 : i32
      %dma_wait3A_1115 = tpu.memref_slice %arg3[%mul3A_2, %dma_wait3A_1114] : memref<8192x16xf32, #tpu.memory_space<hbm>> -> memref<256x16xf32, #tpu.memory_space<hbm>>
      %dma_wait3A_1116 = arith.constant 0 : i32
      %dma_wait3A_1117 = tpu.memref_slice %arg3[%mul3A_2, %dma_wait3A_1116] : memref<8192x16xf32, #tpu.memory_space<hbm>> -> memref<256x16xf32, #tpu.memory_space<hbm>>
      tpu.wait_dma2 semaphore(%run_scoped3A : memref<!tpu.dma_semaphore, #tpu.memory_space<semaphore_mem>>) src(%arg5 : memref<256x16xf32, #tpu.memory_space<vmem>>) dst(%dma_wait3A_1117 : memref<256x16xf32, #tpu.memory_space<hbm>>)
      tpu.yield
    }) : () -> ()
    return
  }
}

</mosaic_0001>

<sc_bundles>
// kernel: _one_hot.3.cloned.1.call-start
scs
__scs_entry_jumppad:
0x0: {  	(pc) =	sbr.rel $0x88, $3  }
0x1: {  	(tag) =	ssettag $0x0;
	lr =	simm.s32 $0x1  }
0x2: {  	[smem:$0x3FA0] =	sst lr;
	_ =	strace $0xD0000000  }
0x3: {  	_ = 	snop  }
0x4: {  	_ = 	snop  }
0x5: {  	_ = 	snop  }
0x6: {  	_ = 	snop  }
0x7: {  	_ = 	snop  }
__scs_overlays_trampoline_lowered:
0x8: {  	[smem:$0x3FAF] =	sst s0  }
0x9: {  	[smem:$0x3FB0] =	sst s1  }
0xa: {  	[smem:$0x3FB1] =	sst s2  }
0xb: {  	[smem:$0x3FB2] =	sst s3  }
0xc: {  	[smem:$0x3FB3] =	sst s4  }
0xd: {  	[smem:$0x3FB4] =	sst s5  }
0xe: {  	[smem:$0x3FB5] =	sst s6  }
0xf: {  	[smem:$0x3FB6] =	sst s7  }
0x10: {  	[smem:$0x3FB7] =	sst s8  }
0x11: {  	[smem:$0x3FB8] =	sst s9;
	s0 =	simm.s32 @!p0 $0x0  }
0x12: {  	s1 =	sld [smem:$0x3F9E];
	s0 =	simm.s32 @p0 $0x1  }
0x13: {  	[smem:$0x3FB9] =	sst s0;
	s0 =	simm.s32 @!p1 $0x0  }
0x14: {  	s2 =	sld [smem:$0x3F9D];
	s0 =	simm.s32 @p1 $0x1  }
0x15: {  	[smem:$0x3FBA] =	sst s0;
	s0 =	simm.s32 @!p2 $0x0  }
0x16: {  	s3 =	sld [smem:$0x3FDB];
	s0 =	simm.s32 @p2 $0x1  }
0x17: {  	s4 =	simm.s32 $0x1BF5;
	[smem:$0x3FBC] =	sst s0  }
0x18: {  	s0 =	sld [smem:$0x3F9F];
	_ =	swait.ge [sflag:s4], $0x0  }
0x19: {  	s7 =	sld [smem:$0x3FA0]  }
0x1a: {  	s8 =	sadd.s32 $0xFFFFE003, lr  }
0x1b: {  	s9 =	sadd.s32 $0xFFFFFEF7, lr;
	s5 =	simm.s32 $0xFFFFFFFF;
	p2 =	slt.u32 s8, $0xFFFFF086  }
0x1c: {  	p1 =	slt.u32 s9, $0xF7A;
	s5 =	simm.s32 @!p2 $0x0  }
0x1d: {  	s5 =	simm.s32 @p1 $0x1;
	p0 =	seq.s32 s7, s2  }
0x1e: {  	s7 =	smul.u32 @!p0 $0xF7A, s2;
	p2 =	seq.s32 @!p0 s5, $0x0  }
0x1f: {  	s9 =	smul.u32 $0xF7A, s1;
	s8 =	simm.s32 @!p0 $0x1BF5;
	p2 =	por !p2, p0  }
0x20: {  	[sflag:s8] =	ssyncset.s32 @!p0 $0xFFFFF086;
	s6 =	sadd.s32 @!p0 s3, s7;
	s7 =	simm.s32 @!p0 $0x108  }
0x21: {  	s3 =	sadd.s32 s3, s9;
	s6 =	sadd.s32 @!p0 $0x88, s6;
	s7 =	simm.s32 @p2 $0x1082  }
0x22: {  	[simem:s7], [sflag:s8] =	dma.local @!p0 [hbm:s6], $0xF7A  }
0x23: {  	s9 =	sor.u32 $0xD0000000, s2;
	s6 =	simm.s32 $0x108;
	_ =	swait.ge @!p0 [sflag:s8], $0x0  }
0x24: {  	s3 =	sadd.s32 $0x88, s3;
	s6 =	simm.s32 @!p1 $0x1082;
	[sflag:s4] =	ssyncset.s32 $0xFFFFF086  }
0x25: {  	[simem:s6], [sflag:s4] =	dma.local [hbm:s3], $0xF7A  }
0x26: {  	[smem:$0x3FA0] =	sst s1;
	(tag) =	ssettag s2;
	_ =	strace s9  }
0x27: {  	s1 =	sld [smem:$0x3FB0]  }
0x28: {  	s2 =	sld [smem:$0x3FB1]  }
0x29: {  	s4 =	sld [smem:$0x3FB3]  }
0x2a: {  	p0 =	seq.s32 s5, $0x0;
	s5 =	sld [smem:$0x3FB4]  }
0x2b: {  	s6 =	sld [smem:$0x3FB5]  }
0x2c: {  	s7 =	sld [smem:$0x3FB6]  }
0x2d: {  	s3 =	simm.s32 $0x108;
	s8 =	sld [smem:$0x3FB7]  }
0x2e: {  	s3 =	simm.s32 @!p0 $0x1082;
	s9 =	sld [smem:$0x3FB8]  }
0x2f: {  	lr =	sadd.s32 s0, s3;
	s0 =	sld [smem:$0x3FAF]  }
0x30: {  	s3 =	sld [smem:$0x3FB2]  }
0x31: {  	[smem:$0x3FBB] =	sst s10  }
0x32: {  	s10 =	sld [smem:$0x3FB9];
	_ =	sdelay $0x3  }
0x33: {  	p0 =	seq.s32 s10, $0x1;
	s10 =	sld [smem:$0x3FBB];
	_ =	sdelay $0x3  }
0x34: {  	[smem:$0x3FBB] =	sst s10  }
0x35: {  	s10 =	sld [smem:$0x3FBA];
	_ =	sdelay $0x3  }
0x36: {  	p1 =	seq.s32 s10, $0x1;
	s10 =	sld [smem:$0x3FBB];
	_ =	sdelay $0x3  }
0x37: {  	[smem:$0x3FBB] =	sst s10  }
0x38: {  	s10 =	sld [smem:$0x3FBC]  }
0x39: {  	_ = 	snop;
	(pc) =	sbr.ind lr, $3  }
0x3a: {  	_ = 	snop  }
0x3b: {  	_ = 	snop  }
0x3c: {  	p2 =	seq.s32 s10, $0x1;
	s10 =	sld [smem:$0x3FBB]  }
0x3d: {  	_ =	shalt  }
0x3e: {  	_ =	shalt  }
0x3f: {  	_ =	shalt  }
0x40: {  	_ =	shalt  }
0x41: {  	_ =	shalt  }
0x42: {  	_ =	shalt  }
0x43: {  	_ =	shalt  }
0x44: {  	_ =	shalt  }
0x45: {  	_ =	shalt  }
0x46: {  	_ =	shalt  }
0x47: {  	_ =	shalt  }
0x48: {  	_ =	shalt  }
0x49: {  	_ =	shalt  }
0x4a: {  	_ =	shalt  }
0x4b: {  	_ =	shalt  }
0x4c: {  	_ =	shalt  }
0x4d: {  	_ =	shalt  }
0x4e: {  	_ =	shalt  }
0x4f: {  	_ =	shalt  }
0x50: {  	_ =	shalt  }
0x51: {  	_ =	shalt  }
0x52: {  	_ =	shalt  }
0x53: {  	_ =	shalt  }
0x54: {  	_ =	shalt  }
0x55: {  	_ =	shalt  }
0x56: {  	_ =	shalt  }
0x57: {  	_ =	shalt  }
0x58: {  	_ =	shalt  }
0x59: {  	_ =	shalt  }
0x5a: {  	_ =	shalt  }
0x5b: {  	_ =	shalt  }
0x5c: {  	_ =	shalt  }
0x5d: {  	_ =	shalt  }
0x5e: {  	_ =	shalt  }
0x5f: {  	_ =	shalt  }
0x60: {  	_ =	shalt  }
0x61: {  	_ =	shalt  }
0x62: {  	_ =	shalt  }
0x63: {  	_ =	shalt  }
0x64: {  	_ =	shalt  }
0x65: {  	_ =	shalt  }
0x66: {  	_ =	shalt  }
0x67: {  	_ =	shalt  }
0x68: {  	_ =	shalt  }
0x69: {  	_ =	shalt  }
0x6a: {  	_ =	shalt  }
0x6b: {  	_ =	shalt  }
0x6c: {  	_ =	shalt  }
0x6d: {  	_ =	shalt  }
0x6e: {  	_ =	shalt  }
0x6f: {  	_ =	shalt  }
0x70: {  	_ =	shalt  }
0x71: {  	_ =	shalt  }
0x72: {  	_ =	shalt  }
0x73: {  	_ =	shalt  }
0x74: {  	_ =	shalt  }
0x75: {  	_ =	shalt  }
0x76: {  	_ =	shalt  }
0x77: {  	_ =	shalt  }
0x78: {  	_ =	shalt  }
0x79: {  	_ =	shalt  }
0x7a: {  	_ =	shalt  }
0x7b: {  	_ =	shalt  }
0x7c: {  	_ =	shalt  }
0x7d: {  	_ =	shalt  }
0x7e: {  	_ =	shalt  }
0x7f: {  	_ =	shalt  }
0x80: {  	_ =	shalt  }
0x81: {  	_ =	shalt  }
0x82: {  	_ =	shalt  }
0x83: {  	_ =	shalt  }
0x84: {  	_ =	shalt  }
0x85: {  	_ =	shalt  }
0x86: {  	_ =	shalt  }
0x87: {  	_ =	shalt  }
.Lfunc_end0:
.L_simem_size_0:
called_computation_lowered:
.L_overlay_start_0:
0x88: {  	s2 =	sld [smem:$0x3FD9]  }
0x89: {  	s3 =	sld [smem:$0x3FFE];
	_ =	sdelay $0x1  }
0x8a: {  	s1 =	srdreg.scid  }
0x8b: {  	s0 =	sand.u32 $0x1, s1  }
0x8c: {  	s17 =	sshll.u32 s0, $0xA;
	s2 =	sadd.s32 s3, s2  }
0x8d: {  	s2 =	sadd.s32 s2, s17  }
0x8e: {  	[smem:$0x3FC7] =	sst s2  }
0x8f: {  	_ = 	snop  }
0x90: {  	s2 =	sld [smem:$0x3FC9];
	(tm) =	ssettm $0x1  }
0x91: {  	s18 =	sld [smem:$0x3FFB];
	_ =	sdelay $0x3  }
0x92: {  	_ =	strace s18  }
0x93: {  	s3 =	sld [smem:$0x3FFC];
	_ =	sdelay $0x3  }
0x94: {  	_ =	strace s3  }
0x95: {  	s3 =	sld [smem:$0x3FFD];
	_ =	sdelay $0x3  }
0x96: {  	_ =	strace s3  }
0x97: {  	_ =	strace $0x8FFFFFFF  }
0x98: {  	s19 =	sld [smem:$0x3FDB];
	_ =	sdelay $0x1  }
0x99: {  	s4 =	simm.s32 $_scs_section_size  }
0x9a: {  	s5 =	simm.s32 $_size__tile_overlayer_lowered;
	s6 =	simm.s32 $_tile_overlayer_lowered  }
0x9b: {  	s22 =	simm.s32 $0x1BFF;
	s21 =	sshll.u32 s6, $0x1;
	s3 =	sadd.s32 s4, s19  }
0x9c: {  	s7 =	simm.s32 $0x0;
	s20 =	sshll.u32 s5, $0x1;
	s5 =	sadd.s32 s21, s3  }
0x9d: {  	[timem:s7], [sflag:s22] =	dma.local [hbm:s5], s20  }
0x9e: {  	_ =	swait.ge [sflag:s22], s20  }
0x9f: {  	s4 =	ssub.s32 $0x0, s20;
	[sflag:s22] =	ssyncset.done $0x0  }
0xa0: {  	[sflag:s22] =	ssyncadd.s32 s4;
	_ =	sdelay $0x1  }
0xa1: {  	s23 =	simm.s32 $0x1B8B  }
0xa2: {  	_ =	swait.ge [sflag:s23], $0x1  }
0xa3: {  	[sflag:s23] =	ssyncset.done $0x0  }
0xa4: {  	s25 =	simm.s32 $0x1B8E;
	s24 =	sld [smem:$0x3FFE];
	[sflag:s23] =	ssyncadd.s32 $0xFFFFFFFF  }
0xa5: {  	s26 =	simm.s32 $execute0_lowered;
	[smem:$0x3FD2] =	sst s25  }
0xa6: {  	s5 =	sshll.u32 s26, $0x1;
	_ =	strace $0x80000046;
	[dreg:$0x1] =	wrdreg $0xFFFFFFFF  }
0xa7: {  	s28 =	simm.s32 $_size_execute0_lowered;
	s3 =	sadd.s32 s3, s5;
	[dreg:$0x0] =	wrdreg $0x0  }
0xa8: {  	s5 =	sshll.u32 s28, $0x1;
	[dreg:$0x2] =	wrdreg s3  }
0xa9: {  	[dreg:$0x3] =	wrdreg s5  }
0xaa: {  	[dreg:$0x4] =	wrdreg $0xC0  }
0xab: {  	_ =	task [dreg:s7], $0x5FFFF  }
0xac: {  	[dreg:$0x1] =	wrdreg $0xFFFFFFFF  }
0xad: {  	[dreg:$0x0] =	wrdreg $0x60  }
0xae: {  	[dreg:$0x2] =	wrdreg s2  }
0xaf: {  	[dreg:$0x3] =	wrdreg s24  }
0xb0: {  	[dreg:$0x4] =	wrdreg $0x9  }
0xb1: {  	_ =	task.clear_ibuf [dreg:s7], $0x5FFFF;
	_ =	strace $0x90000046  }
0xb2: {  	s29 =	simm.s32 $0x9;
	_ =	strace $0x80000048  }
0xb3: {  	_ =	swait.ge [sflag:s29], $0x1  }
0xb4: {  	[sflag:s29] =	ssyncadd.s32 $0xFFFFFFFF  }
0xb5: {  	_ =	strace $0x90000048  }
0xb6: {  	_ =	sfence  }
0xb7: {  	s30 =	sld [smem:$0x0];
	_ =	sdelay $0x2  }
0xb8: {  	s31 =	sshll.u32 s1, $0xD;
	s1 =	sshrl.u32 s1, $0x2  }
0xb9: {  	s3 =	sand.u32 $0x4000, s31;
	s1 =	sadd.s32 s1, s30  }
0xba: {  	s0 =	sor.u32 s3, s0;
	s1 =	sshll.u32 s1, $0x11  }
0xbb: {  	s0 =	sor.u32 s1, s0  }
0xbc: {  	s0 =	sadd.s32 $0x8F2B, s0  }
0xbd: {  	[sflag:s0] =	ssyncadd.remote.s32 $0x1  }
0xbe: {  	_ =	sfence.sel $0xFFFF  }
0xbf: {  	[dreg:$0x0] =	wrdreg $0xFFFFFFFF;
	(pc) =	sbr.abs _section_cstart, $3  }
0xc0: {  	[dreg:$0x1] =	wrdreg $0xFFFFFFFF  }
0xc1: {  	_ =	task.clear_ibuf [dreg:s7], $0x2FFFF;
	_ =	strace $0x9FFFFFFF  }
0xc2: {  	(tm) =	ssettm $0x7FFFFFFF  }
0xc3: {  	_ =	shalt  }
tec
execute0_lowered:
.L_overlay_start_1:
0x0: {  	(tag) =	ssettag $0x1  }
0x1: {  	s3 =	rddreg [dreg:$0x0]  }
0x2: {  	s4 =	rddreg [dreg:$0x1];
	s2 =	srdreg.scid;
	v0 =	vlaneseq.u32  }
0x3: {  	s0 =	rddreg [dreg:$0x2];
	s1 =	stileid.u32;
	s5 =	sand.u32 $0x1, s2;
	v0 =	vmul.u32 $0x80, v0  }
0x4: {  	v1 =	vimm.f32 $0.0e+00;
	v2 =	vimm.f32 $1.000000000e+00;
	s2 =	simm.s32 $0x0;
	s6 =	sshll.u32 s1, $0x9;
	s7 =	sshll.u32 s5, $0x8  }
0x5: {  	[smem:$0x7FF] =	sst s2;
	s5 =	ssub.s32 $0x2, s5;
	s6 =	sor.u32 s7, s6;
	v3 =	vor.u32 $0x800, v0;
	v4 =	vor.u32 $0x1000, v0;
	v5 =	vor.u32 $0x1800, v0  }
0x6: {  	_ =	strace $0x80000047;
	s8 =	sshrl.u32 s5, $0x1;
	v6 =	vor.u32 $0x2000, v0;
	v7 =	vor.u32 $0x2800, v0;
	v8 =	vor.u32 $0x3000, v0;
	s7 =	sshll.u32 s6, $0x4  }
0x7: {  	v9 =	vor.u32 $0x3800, v0;
	v10 =	vor.u32 $0x4000, v0;
	v11 =	vor.u32 $0x4800, v0;
	s5 =	ssub.s32 s5, s8;
	s6 =	sshrl.u32 s6, $0x3;
	s8 =	simm.s32 $0x2  }
0x8: {  	v12 =	vor.u32 $0x5000, v0;
	v13 =	vor.u32 $0x5800, v0;
	v14 =	vor.u32 $0x6000, v0;
	s4 =	sadd.s32 s7, s4;
	s3 =	sadd.s32 s3, s6;
	s5 =	smax.u32 s5, $0x1  }
0x9: {  	v15 =	vor.u32 $0x6800, v0;
	v16 =	vor.u32 $0x7000, v0;
	v17 =	vor.u32 $0x7800, v0;
	s6 =	simm.s32 $0x1;
	s7 =	simm.s32 $0x100;
	s4 =	sadd.s32 $0x400, s4  }
.LBB2_1:
0xa: {  	[tilespmem:s2], [sflag:$0x1] =	stream.linear.gather [hbm4b:s3+s2], $0x100, $0x38;
	[tilespmem:$0x8100] =	vst v63  }
0xb: {  	[tilespmem:$0x100] =	vst v1  }
0xc: {  	[tilespmem:$0x180] =	vst v1  }
0xd: {  	[tilespmem:$0x200] =	vst v1  }
0xe: {  	[tilespmem:$0x280] =	vst v1  }
0xf: {  	[tilespmem:$0x300] =	vst v1  }
0x10: {  	[tilespmem:$0x380] =	vst v1  }
0x11: {  	[tilespmem:$0x400] =	vst v1  }
0x12: {  	[tilespmem:$0x480] =	vst v1  }
0x13: {  	[tilespmem:$0x500] =	vst v1  }
0x14: {  	[tilespmem:$0x580] =	vst v1  }
0x15: {  	[tilespmem:$0x600] =	vst v1  }
0x16: {  	[tilespmem:$0x680] =	vst v1  }
0x17: {  	[tilespmem:$0x700] =	vst v1  }
0x18: {  	[tilespmem:$0x780] =	vst v1  }
0x19: {  	[tilespmem:$0x800] =	vst v1  }
0x1a: {  	[tilespmem:$0x880] =	vst v1  }
0x1b: {  	[tilespmem:$0x900] =	vst v1  }
0x1c: {  	[tilespmem:$0x980] =	vst v1  }
0x1d: {  	[tilespmem:$0xA00] =	vst v1  }
0x1e: {  	[tilespmem:$0xA80] =	vst v1  }
0x1f: {  	[tilespmem:$0xB00] =	vst v1  }
0x20: {  	[tilespmem:$0xB80] =	vst v1  }
0x21: {  	[tilespmem:$0xC00] =	vst v1  }
0x22: {  	[tilespmem:$0xC80] =	vst v1  }
0x23: {  	[tilespmem:$0xD00] =	vst v1  }
0x24: {  	[tilespmem:$0xD80] =	vst v1  }
0x25: {  	[tilespmem:$0xE00] =	vst v1  }
0x26: {  	[tilespmem:$0xE80] =	vst v1  }
0x27: {  	[tilespmem:$0xF00] =	vst v1  }
0x28: {  	[tilespmem:$0xF80] =	vst v1  }
0x29: {  	[tilespmem:$0x1000] =	vst v1  }
0x2a: {  	[tilespmem:$0x1080] =	vst v1  }
0x2b: {  	[tilespmem:$0x1100] =	vst v1  }
0x2c: {  	[tilespmem:$0x1180] =	vst v1  }
0x2d: {  	[tilespmem:$0x1200] =	vst v1  }
0x2e: {  	[tilespmem:$0x1280] =	vst v1  }
0x2f: {  	[tilespmem:$0x1300] =	vst v1  }
0x30: {  	[tilespmem:$0x1380] =	vst v1  }
0x31: {  	[tilespmem:$0x1400] =	vst v1  }
0x32: {  	[tilespmem:$0x1480] =	vst v1  }
0x33: {  	[tilespmem:$0x1500] =	vst v1  }
0x34: {  	[tilespmem:$0x1580] =	vst v1  }
0x35: {  	[tilespmem:$0x1600] =	vst v1  }
0x36: {  	[tilespmem:$0x1680] =	vst v1  }
0x37: {  	[tilespmem:$0x1700] =	vst v1  }
0x38: {  	[tilespmem:$0x1780] =	vst v1  }
0x39: {  	[tilespmem:$0x1800] =	vst v1  }
0x3a: {  	[tilespmem:$0x1880] =	vst v1  }
0x3b: {  	[tilespmem:$0x1900] =	vst v1  }
0x3c: {  	[tilespmem:$0x1980] =	vst v1  }
0x3d: {  	[tilespmem:$0x1A00] =	vst v1  }
0x3e: {  	[tilespmem:$0x1A80] =	vst v1  }
0x3f: {  	[tilespmem:$0x1B00] =	vst v1  }
0x40: {  	[tilespmem:$0x1B80] =	vst v1  }
0x41: {  	[tilespmem:$0x1C00] =	vst v1  }
0x42: {  	[tilespmem:$0x1C80] =	vst v1  }
0x43: {  	[tilespmem:$0x1D00] =	vst v1  }
0x44: {  	[tilespmem:$0x1D80] =	vst v1  }
0x45: {  	[tilespmem:$0x1E00] =	vst v1  }
0x46: {  	[tilespmem:$0x1E80] =	vst v1  }
0x47: {  	[tilespmem:$0x1F00] =	vst v1  }
0x48: {  	[tilespmem:$0x1F80] =	vst v1  }
0x49: {  	[tilespmem:$0x2000] =	vst v1  }
0x4a: {  	[tilespmem:$0x2080] =	vst v1  }
0x4b: {  	[tilespmem:$0x2100] =	vst v1  }
0x4c: {  	[tilespmem:$0x2180] =	vst v1  }
0x4d: {  	[tilespmem:$0x2200] =	vst v1  }
0x4e: {  	[tilespmem:$0x2280] =	vst v1  }
0x4f: {  	[tilespmem:$0x2300] =	vst v1  }
0x50: {  	[tilespmem:$0x2380] =	vst v1  }
0x51: {  	[tilespmem:$0x2400] =	vst v1  }
0x52: {  	[tilespmem:$0x2480] =	vst v1  }
0x53: {  	[tilespmem:$0x2500] =	vst v1  }
0x54: {  	[tilespmem:$0x2580] =	vst v1  }
0x55: {  	[tilespmem:$0x2600] =	vst v1  }
0x56: {  	[tilespmem:$0x2680] =	vst v1  }
0x57: {  	[tilespmem:$0x2700] =	vst v1  }
0x58: {  	[tilespmem:$0x2780] =	vst v1  }
0x59: {  	[tilespmem:$0x2800] =	vst v1  }
0x5a: {  	[tilespmem:$0x2880] =	vst v1  }
0x5b: {  	[tilespmem:$0x2900] =	vst v1  }
0x5c: {  	[tilespmem:$0x2980] =	vst v1  }
0x5d: {  	[tilespmem:$0x2A00] =	vst v1  }
0x5e: {  	[tilespmem:$0x2A80] =	vst v1  }
0x5f: {  	[tilespmem:$0x2B00] =	vst v1  }
0x60: {  	[tilespmem:$0x2B80] =	vst v1  }
0x61: {  	[tilespmem:$0x2C00] =	vst v1  }
0x62: {  	[tilespmem:$0x2C80] =	vst v1  }
0x63: {  	[tilespmem:$0x2D00] =	vst v1  }
0x64: {  	[tilespmem:$0x2D80] =	vst v1  }
0x65: {  	[tilespmem:$0x2E00] =	vst v1  }
0x66: {  	[tilespmem:$0x2E80] =	vst v1  }
0x67: {  	[tilespmem:$0x2F00] =	vst v1  }
0x68: {  	[tilespmem:$0x2F80] =	vst v1  }
0x69: {  	[tilespmem:$0x3000] =	vst v1  }
0x6a: {  	[tilespmem:$0x3080] =	vst v1  }
0x6b: {  	[tilespmem:$0x3100] =	vst v1  }
0x6c: {  	[tilespmem:$0x3180] =	vst v1  }
0x6d: {  	[tilespmem:$0x3200] =	vst v1  }
0x6e: {  	[tilespmem:$0x3280] =	vst v1  }
0x6f: {  	[tilespmem:$0x3300] =	vst v1  }
0x70: {  	[tilespmem:$0x3380] =	vst v1  }
0x71: {  	[tilespmem:$0x3400] =	vst v1  }
0x72: {  	[tilespmem:$0x3480] =	vst v1  }
0x73: {  	[tilespmem:$0x3500] =	vst v1  }
0x74: {  	[tilespmem:$0x3580] =	vst v1  }
0x75: {  	[tilespmem:$0x3600] =	vst v1  }
0x76: {  	[tilespmem:$0x3680] =	vst v1  }
0x77: {  	[tilespmem:$0x3700] =	vst v1  }
0x78: {  	[tilespmem:$0x3780] =	vst v1  }
0x79: {  	[tilespmem:$0x3800] =	vst v1  }
0x7a: {  	[tilespmem:$0x3880] =	vst v1  }
0x7b: {  	[tilespmem:$0x3900] =	vst v1  }
0x7c: {  	[tilespmem:$0x3980] =	vst v1  }
0x7d: {  	[tilespmem:$0x3A00] =	vst v1  }
0x7e: {  	[tilespmem:$0x3A80] =	vst v1  }
0x7f: {  	[tilespmem:$0x3B00] =	vst v1  }
0x80: {  	[tilespmem:$0x3B80] =	vst v1  }
0x81: {  	[tilespmem:$0x3C00] =	vst v1  }
0x82: {  	[tilespmem:$0x3C80] =	vst v1  }
0x83: {  	[tilespmem:$0x3D00] =	vst v1  }
0x84: {  	[tilespmem:$0x3D80] =	vst v1  }
0x85: {  	[tilespmem:$0x3E00] =	vst v1  }
0x86: {  	[tilespmem:$0x3E80] =	vst v1  }
0x87: {  	[tilespmem:$0x3F00] =	vst v1  }
0x88: {  	[tilespmem:$0x3F80] =	vst v1  }
0x89: {  	[tilespmem:$0x4000] =	vst v1  }
0x8a: {  	[tilespmem:$0x4080] =	vst v1  }
0x8b: {  	[tilespmem:$0x4100] =	vst v1  }
0x8c: {  	[tilespmem:$0x4180] =	vst v1  }
0x8d: {  	[tilespmem:$0x4200] =	vst v1  }
0x8e: {  	[tilespmem:$0x4280] =	vst v1  }
0x8f: {  	[tilespmem:$0x4300] =	vst v1  }
0x90: {  	[tilespmem:$0x4380] =	vst v1  }
0x91: {  	[tilespmem:$0x4400] =	vst v1  }
0x92: {  	[tilespmem:$0x4480] =	vst v1  }
0x93: {  	[tilespmem:$0x4500] =	vst v1  }
0x94: {  	[tilespmem:$0x4580] =	vst v1  }
0x95: {  	[tilespmem:$0x4600] =	vst v1  }
0x96: {  	[tilespmem:$0x4680] =	vst v1  }
0x97: {  	[tilespmem:$0x4700] =	vst v1  }
0x98: {  	[tilespmem:$0x4780] =	vst v1  }
0x99: {  	[tilespmem:$0x4800] =	vst v1  }
0x9a: {  	[tilespmem:$0x4880] =	vst v1  }
0x9b: {  	[tilespmem:$0x4900] =	vst v1  }
0x9c: {  	[tilespmem:$0x4980] =	vst v1  }
0x9d: {  	[tilespmem:$0x4A00] =	vst v1  }
0x9e: {  	[tilespmem:$0x4A80] =	vst v1  }
0x9f: {  	[tilespmem:$0x4B00] =	vst v1  }
0xa0: {  	[tilespmem:$0x4B80] =	vst v1  }
0xa1: {  	[tilespmem:$0x4C00] =	vst v1  }
0xa2: {  	[tilespmem:$0x4C80] =	vst v1  }
0xa3: {  	[tilespmem:$0x4D00] =	vst v1  }
0xa4: {  	[tilespmem:$0x4D80] =	vst v1  }
0xa5: {  	[tilespmem:$0x4E00] =	vst v1  }
0xa6: {  	[tilespmem:$0x4E80] =	vst v1  }
0xa7: {  	[tilespmem:$0x4F00] =	vst v1  }
0xa8: {  	[tilespmem:$0x4F80] =	vst v1  }
0xa9: {  	[tilespmem:$0x5000] =	vst v1  }
0xaa: {  	[tilespmem:$0x5080] =	vst v1  }
0xab: {  	[tilespmem:$0x5100] =	vst v1  }
0xac: {  	[tilespmem:$0x5180] =	vst v1  }
0xad: {  	[tilespmem:$0x5200] =	vst v1  }
0xae: {  	[tilespmem:$0x5280] =	vst v1  }
0xaf: {  	[tilespmem:$0x5300] =	vst v1  }
0xb0: {  	[tilespmem:$0x5380] =	vst v1  }
0xb1: {  	[tilespmem:$0x5400] =	vst v1  }
0xb2: {  	[tilespmem:$0x5480] =	vst v1  }
0xb3: {  	[tilespmem:$0x5500] =	vst v1  }
0xb4: {  	[tilespmem:$0x5580] =	vst v1  }
0xb5: {  	[tilespmem:$0x5600] =	vst v1  }
0xb6: {  	[tilespmem:$0x5680] =	vst v1  }
0xb7: {  	[tilespmem:$0x5700] =	vst v1  }
0xb8: {  	[tilespmem:$0x5780] =	vst v1  }
0xb9: {  	[tilespmem:$0x5800] =	vst v1  }
0xba: {  	[tilespmem:$0x5880] =	vst v1  }
0xbb: {  	[tilespmem:$0x5900] =	vst v1  }
0xbc: {  	[tilespmem:$0x5980] =	vst v1  }
0xbd: {  	[tilespmem:$0x5A00] =	vst v1  }
0xbe: {  	[tilespmem:$0x5A80] =	vst v1  }
0xbf: {  	[tilespmem:$0x5B00] =	vst v1  }
0xc0: {  	[tilespmem:$0x5B80] =	vst v1  }
0xc1: {  	[tilespmem:$0x5C00] =	vst v1  }
0xc2: {  	[tilespmem:$0x5C80] =	vst v1  }
0xc3: {  	[tilespmem:$0x5D00] =	vst v1  }
0xc4: {  	[tilespmem:$0x5D80] =	vst v1  }
0xc5: {  	[tilespmem:$0x5E00] =	vst v1  }
0xc6: {  	[tilespmem:$0x5E80] =	vst v1  }
0xc7: {  	[tilespmem:$0x5F00] =	vst v1  }
0xc8: {  	[tilespmem:$0x5F80] =	vst v1  }
0xc9: {  	[tilespmem:$0x6000] =	vst v1  }
0xca: {  	[tilespmem:$0x6080] =	vst v1  }
0xcb: {  	[tilespmem:$0x6100] =	vst v1  }
0xcc: {  	[tilespmem:$0x6180] =	vst v1  }
0xcd: {  	[tilespmem:$0x6200] =	vst v1  }
0xce: {  	[tilespmem:$0x6280] =	vst v1  }
0xcf: {  	[tilespmem:$0x6300] =	vst v1  }
0xd0: {  	[tilespmem:$0x6380] =	vst v1  }
0xd1: {  	[tilespmem:$0x6400] =	vst v1  }
0xd2: {  	[tilespmem:$0x6480] =	vst v1  }
0xd3: {  	[tilespmem:$0x6500] =	vst v1  }
0xd4: {  	[tilespmem:$0x6580] =	vst v1  }
0xd5: {  	[tilespmem:$0x6600] =	vst v1  }
0xd6: {  	[tilespmem:$0x6680] =	vst v1  }
0xd7: {  	[tilespmem:$0x6700] =	vst v1  }
0xd8: {  	[tilespmem:$0x6780] =	vst v1  }
0xd9: {  	[tilespmem:$0x6800] =	vst v1  }
0xda: {  	[tilespmem:$0x6880] =	vst v1  }
0xdb: {  	[tilespmem:$0x6900] =	vst v1  }
0xdc: {  	[tilespmem:$0x6980] =	vst v1  }
0xdd: {  	[tilespmem:$0x6A00] =	vst v1  }
0xde: {  	[tilespmem:$0x6A80] =	vst v1  }
0xdf: {  	[tilespmem:$0x6B00] =	vst v1  }
0xe0: {  	[tilespmem:$0x6B80] =	vst v1  }
0xe1: {  	[tilespmem:$0x6C00] =	vst v1  }
0xe2: {  	[tilespmem:$0x6C80] =	vst v1  }
0xe3: {  	[tilespmem:$0x6D00] =	vst v1  }
0xe4: {  	[tilespmem:$0x6D80] =	vst v1  }
0xe5: {  	[tilespmem:$0x6E00] =	vst v1  }
0xe6: {  	[tilespmem:$0x6E80] =	vst v1  }
0xe7: {  	[tilespmem:$0x6F00] =	vst v1  }
0xe8: {  	[tilespmem:$0x6F80] =	vst v1  }
0xe9: {  	[tilespmem:$0x7000] =	vst v1  }
0xea: {  	[tilespmem:$0x7080] =	vst v1  }
0xeb: {  	[tilespmem:$0x7100] =	vst v1  }
0xec: {  	[tilespmem:$0x7180] =	vst v1  }
0xed: {  	[tilespmem:$0x7200] =	vst v1  }
0xee: {  	[tilespmem:$0x7280] =	vst v1  }
0xef: {  	[tilespmem:$0x7300] =	vst v1  }
0xf0: {  	[tilespmem:$0x7380] =	vst v1  }
0xf1: {  	[tilespmem:$0x7400] =	vst v1  }
0xf2: {  	[tilespmem:$0x7480] =	vst v1  }
0xf3: {  	[tilespmem:$0x7500] =	vst v1  }
0xf4: {  	[tilespmem:$0x7580] =	vst v1  }
0xf5: {  	[tilespmem:$0x7600] =	vst v1  }
0xf6: {  	[tilespmem:$0x7680] =	vst v1  }
0xf7: {  	[tilespmem:$0x7700] =	vst v1  }
0xf8: {  	[tilespmem:$0x7780] =	vst v1  }
0xf9: {  	[tilespmem:$0x7800] =	vst v1  }
0xfa: {  	[tilespmem:$0x7880] =	vst v1  }
0xfb: {  	[tilespmem:$0x7900] =	vst v1  }
0xfc: {  	[tilespmem:$0x7980] =	vst v1  }
0xfd: {  	[tilespmem:$0x7A00] =	vst v1  }
0xfe: {  	[tilespmem:$0x7A80] =	vst v1  }
0xff: {  	[tilespmem:$0x7B00] =	vst v1  }
0x100: {  	[tilespmem:$0x7B80] =	vst v1  }
0x101: {  	[tilespmem:$0x7C00] =	vst v1  }
0x102: {  	[tilespmem:$0x7C80] =	vst v1  }
0x103: {  	[tilespmem:$0x7D00] =	vst v1  }
0x104: {  	[tilespmem:$0x7D80] =	vst v1  }
0x105: {  	[tilespmem:$0x7E00] =	vst v1  }
0x106: {  	[tilespmem:$0x7E80] =	vst v1  }
0x107: {  	[tilespmem:$0x7F00] =	vst v1  }
0x108: {  	[tilespmem:$0x7F80] =	vst v1  }
0x109: {  	[tilespmem:$0x8000] =	vst v1  }
0x10a: {  	[tilespmem:$0x8080] =	vst v1  }
0x10b: {  	_ =	swait.ge [sflag:s6], $0x100  }
0x10c: {  	[sflag:s6] =	ssyncset.done $0x0  }
0x10d: {  	[sflag:s6] =	ssyncadd.s32 $0xFFFFFF00  }
0x10e: {  	v18 =	vld [tilespmem:$0x0];
	_ =	sdelay $0x4  }
0x10f: {  	v18 =	vadd.s32 v0, v18;
	_ =	sdelay $0x4  }
0x110: {  	[tilespmem:v18+s7+$0x0] =	vst.idx.msk $0xffff, v2  }
0x111: {  	v18 =	vld [tilespmem:$0x10];
	_ =	sdelay $0x4  }
0x112: {  	v18 =	vadd.s32 v3, v18;
	_ =	sdelay $0x4  }
0x113: {  	[tilespmem:v18+s7+$0x0] =	vst.idx.msk $0xffff, v2  }
0x114: {  	v18 =	vld [tilespmem:$0x20];
	_ =	sdelay $0x4  }
0x115: {  	v18 =	vadd.s32 v4, v18;
	_ =	sdelay $0x4  }
0x116: {  	[tilespmem:v18+s7+$0x0] =	vst.idx.msk $0xffff, v2  }
0x117: {  	v18 =	vld [tilespmem:$0x30];
	_ =	sdelay $0x4  }
0x118: {  	v18 =	vadd.s32 v5, v18;
	_ =	sdelay $0x4  }
0x119: {  	[tilespmem:v18+s7+$0x0] =	vst.idx.msk $0xffff, v2  }
0x11a: {  	v18 =	vld [tilespmem:$0x40];
	_ =	sdelay $0x4  }
0x11b: {  	v18 =	vadd.s32 v6, v18;
	_ =	sdelay $0x4  }
0x11c: {  	[tilespmem:v18+s7+$0x0] =	vst.idx.msk $0xffff, v2  }
0x11d: {  	v18 =	vld [tilespmem:$0x50];
	_ =	sdelay $0x4  }
0x11e: {  	v18 =	vadd.s32 v7, v18;
	_ =	sdelay $0x4  }
0x11f: {  	[tilespmem:v18+s7+$0x0] =	vst.idx.msk $0xffff, v2  }
0x120: {  	v18 =	vld [tilespmem:$0x60];
	_ =	sdelay $0x4  }
0x121: {  	v18 =	vadd.s32 v8, v18;
	_ =	sdelay $0x4  }
0x122: {  	[tilespmem:v18+s7+$0x0] =	vst.idx.msk $0xffff, v2  }
0x123: {  	v18 =	vld [tilespmem:$0x70];
	_ =	sdelay $0x4  }
0x124: {  	v18 =	vadd.s32 v9, v18;
	_ =	sdelay $0x4  }
0x125: {  	[tilespmem:v18+s7+$0x0] =	vst.idx.msk $0xffff, v2  }
0x126: {  	v18 =	vld [tilespmem:$0x80];
	_ =	sdelay $0x4  }
0x127: {  	v18 =	vadd.s32 v10, v18;
	_ =	sdelay $0x4  }
0x128: {  	[tilespmem:v18+s7+$0x0] =	vst.idx.msk $0xffff, v2  }
0x129: {  	v18 =	vld [tilespmem:$0x90];
	_ =	sdelay $0x4  }
0x12a: {  	v18 =	vadd.s32 v11, v18;
	_ =	sdelay $0x4  }
0x12b: {  	[tilespmem:v18+s7+$0x0] =	vst.idx.msk $0xffff, v2  }
0x12c: {  	v18 =	vld [tilespmem:$0xA0];
	_ =	sdelay $0x4  }
0x12d: {  	v18 =	vadd.s32 v12, v18;
	_ =	sdelay $0x4  }
0x12e: {  	[tilespmem:v18+s7+$0x0] =	vst.idx.msk $0xffff, v2  }
0x12f: {  	v18 =	vld [tilespmem:$0xB0];
	_ =	sdelay $0x4  }
0x130: {  	v18 =	vadd.s32 v13, v18;
	_ =	sdelay $0x4  }
0x131: {  	[tilespmem:v18+s7+$0x0] =	vst.idx.msk $0xffff, v2  }
0x132: {  	v18 =	vld [tilespmem:$0xC0];
	_ =	sdelay $0x4  }
0x133: {  	v18 =	vadd.s32 v14, v18;
	_ =	sdelay $0x4  }
0x134: {  	[tilespmem:v18+s7+$0x0] =	vst.idx.msk $0xffff, v2  }
0x135: {  	v18 =	vld [tilespmem:$0xD0];
	_ =	sdelay $0x4  }
0x136: {  	v18 =	vadd.s32 v15, v18;
	_ =	sdelay $0x4  }
0x137: {  	[tilespmem:v18+s7+$0x0] =	vst.idx.msk $0xffff, v2  }
0x138: {  	v18 =	vld [tilespmem:$0xE0];
	_ =	sdelay $0x4  }
0x139: {  	v18 =	vadd.s32 v16, v18;
	_ =	sdelay $0x4  }
0x13a: {  	[tilespmem:v18+s7+$0x0] =	vst.idx.msk $0xffff, v2  }
0x13b: {  	v18 =	vld [tilespmem:$0xF0];
	_ =	sdelay $0x4  }
0x13c: {  	v18 =	vadd.s32 v17, v18;
	_ =	sdelay $0x3  }
0x13d: {  	p0 =	sne.s32 s5, $0x1  }
.Ltmp0:
0x13e: {  	[tilespmem:v18+s7+$0x0] =	vst.idx.msk $0xffff, v2;
	(pc) =	sbr.rel @p0 .LBB2_1-.Ltmp0, $4  }
0x13f: {  	[hbm4b:s4+s2] =	stream.linear.scatter [tilespmem:s7], [sflag:$0x2], $0x8000, $0x38;
	[tilespmem:$0x8100] =	vst v63  }
0x140: {  	_ =	swait.ge [sflag:s8], $0x8000  }
0x141: {  	[sflag:s8] =	ssyncset.done $0x0  }
0x142: {  	s5 =	sadd.s32 $0xFFFFFFFF, s5;
	[sflag:s8] =	ssyncadd.s32 $0xFFFF8000  }
0x143: {  	_ =	sfence.sel $0x180000  }
0x144: {  	[bflag:$0x0] =	sbarrier.arrive $0xFFFF  }
0x145: {  	p0 =	sne.s32 s1, $0x0;
	_ =	strace $0x90000047  }
0x146: {  	s0 =	sadd.s32 @!p0 $0x100000, s0;
	[bflag:$0x2] =	sbarrier.arrive $0xFFFF  }
0x147: {  	[sflag:s0] =	ssyncadd.tile.s32 @!p0 $0x1;
	_ =	shalt  }
.Lfunc_end2:
_tile_overlayer_lowered:
.L_overlay_start_2:
0x148: {  	(tag) =	ssettag $0x2  }
0x149: {  	s0 =	rddreg [dreg:$0x0];
	s2 =	stileid.u32  }
0x14a: {  	s1 =	rddreg [dreg:$0x1];
	p0 =	sne.s32 s2, $0x0  }
0x14b: {  	s3 =	rddreg [dreg:$0x2];
	[bflag:$0x3] =	sbarrier.arrive $0xFFFF;
	s2 =	simm.s32 @!p0 $0x1C02  }
0x14c: {  	[timem:s3], [sflag:s2] =	dma.local @!p0 [hbm:s0], s1  }
0x14d: {  	s0 =	simm.s32 @!p0 $0x2  }
0x14e: {  	_ =	swait.ge @!p0 [sflag:s0], s1  }
0x14f: {  	s1 =	ssub.s32 @!p0 $0x0, s1;
	[sflag:s0] =	ssyncset.done @!p0 $0x0  }
0x150: {  	[sflag:s0] =	ssyncadd.s32 @!p0 s1  }
0x151: {  	[bflag:$0x3] =	sbarrier.arrive $0xFFFF  }
0x152: {  	_ =	shalt  }

</sc_bundles>
